<compile_context>
chip_gen: v7x
topology: tpu7x:2x2x1
jax: 0.10.2.dev20260603
libtpu: 0.0.44.dev20260713+nightly
codegen_flags: <defaults>
</compile_context>

<pallas_src>
import functools

import jax
import jax.numpy as jnp
from jax import lax
from jax.experimental import pallas as pl
from jax.experimental.pallas import tpu as pltpu
from jax.experimental.pallas import tpu_sc as plsc

N_SEG = 4096
H = 512
W = 512
N_PTS = H * W
N_CH = 64
L = 16
ROWS = 32
CHUNK = ROWS * W
N_CHUNKS = N_PTS // CHUNK
PR = H // 16


def _sc_segment_mean(vals4d, map2d):
  mesh = plsc.VectorSubcoreMesh(core_axis_name="c", subcore_axis_name="s")

  @functools.partial(
      pl.kernel,
      out_type=jax.ShapeDtypeStruct((N_CH * N_SEG,), jnp.float32),
      mesh=mesh,
      compiler_params=pltpu.CompilerParams(
          needs_layout_passes=False, use_tc_tiling_on_sc=True),
      scratch_types=[
          pltpu.VMEM((2, ROWS, W), jnp.int32),
          pltpu.VMEM((2, ROWS, W), jnp.float32),
          pltpu.VMEM((2, ROWS, W), jnp.float32),
          pltpu.VMEM((N_SEG,), jnp.float32),
          pltpu.VMEM((N_SEG,), jnp.float32),
          pltpu.VMEM((N_SEG,), jnp.float32),
          pltpu.VMEM((N_SEG,), jnp.float32),
          pltpu.VMEM_SHARED((16 * N_SEG,), jnp.float32),
          pltpu.VMEM_SHARED((N_SEG,), jnp.float32),
          pltpu.SemaphoreType.DMA,
          pltpu.SemaphoreType.DMA,
      ],
  )
  def body(vals_hbm, map_hbm, out_hbm, idx_v, v0_v, v1_v, acc0, acc1,
           cnt_acc, cnt_rd, cnt_sh, inv_sh, semA, semB):
    cid = lax.axis_index("c")
    sid = lax.axis_index("s")
    wid = sid * 2 + cid

    zz = jnp.zeros((L,), jnp.float32)

    @plsc.parallel_loop(0, N_SEG // L, unroll=4)
    def zero_body(i):
      d = pl.ds(i * L, L)
      acc0[d] = zz
      acc1[d] = zz
      cnt_acc[d] = zz

    ones = jnp.ones((L,), jnp.float32)
    pltpu.sync_copy(map_hbm.at[pl.ds(sid * PR, PR), :], idx_v.at[0])

    @plsc.parallel_loop(0, CHUNK // L, unroll=8)
    def cnt_body(i):
      r = lax.shift_right_logical(i, 5)
      col = lax.shift_left(jnp.bitwise_and(i, 31), 4)
      idx = idx_v[0, r, pl.ds(col, L)]
      plsc.addupdate_scatter(cnt_acc, [idx], ones)

    pltpu.sync_copy(cnt_acc, cnt_sh.at[pl.ds(sid * N_SEG, N_SEG)])
    plsc.subcore_barrier()

    ch0 = wid * 2
    a0 = lax.shift_right_logical(ch0, 3)
    b0 = jnp.bitwise_and(ch0, 7)
    a1 = lax.shift_right_logical(ch0 + 1, 3)
    b1 = jnp.bitwise_and(ch0 + 1, 7)
    sems = (semA, semB)

    def chunk_copies(k, b):
      rows = pl.ds(k * ROWS, ROWS)
      return (
          (map_hbm.at[rows, :], idx_v.at[b]),
          (vals_hbm.at[a0, b0, rows, :], v0_v.at[b]),
          (vals_hbm.at[a1, b1, rows, :], v1_v.at[b]),
      )

    def start(k, b):
      for src, dst in chunk_copies(k, b):
        pltpu.async_copy(src, dst, sems[b])

    def wait(k, b):
      for src, dst in chunk_copies(k, b):
        pltpu.make_async_copy(src, dst, sems[b]).wait()

    def process(b):
      @plsc.parallel_loop(0, CHUNK // L, unroll=8)
      def pt_body(i):
        r = lax.shift_right_logical(i, 5)
        col = lax.shift_left(jnp.bitwise_and(i, 31), 4)
        d = pl.ds(col, L)
        idx = idx_v[b, r, d]
        plsc.addupdate_scatter(acc0, [idx], v0_v[b, r, d])
        plsc.addupdate_scatter(acc1, [idx], v1_v[b, r, d])

    start(0, 0)
    start(1, 1)

    def pair_body(p, carry):
      k = 2 * p
      wait(k, 0)
      process(0)
      start(k + 2, 0)
      wait(k + 1, 1)
      process(1)
      start(k + 3, 1)
      return carry

    lax.fori_loop(0, N_CHUNKS // 2 - 1, pair_body, 0)
    wait(N_CHUNKS - 2, 0)
    process(0)
    wait(N_CHUNKS - 1, 1)
    process(1)

    SEG_B = N_SEG // 16
    for r in range(16):
      pltpu.sync_copy(cnt_sh.at[pl.ds(r * N_SEG + sid * SEG_B, SEG_B)],
                      cnt_rd.at[pl.ds(r * SEG_B, SEG_B)])

    one = jnp.ones((L,), jnp.float32)

    @plsc.parallel_loop(0, SEG_B // L, unroll=4)
    def inv_body(i):
      dl = pl.ds(i * L, L)
      tot = cnt_rd[dl]
      for r in range(1, 16):
        tot = tot + cnt_rd[pl.ds(r * SEG_B + i * L, L)]
      cnt_rd[dl] = one / jnp.maximum(tot, one)

    pltpu.sync_copy(cnt_rd.at[pl.ds(0, SEG_B)], inv_sh.at[pl.ds(sid * SEG_B, SEG_B)])
    plsc.subcore_barrier()
    pltpu.sync_copy(inv_sh, cnt_rd)

    @plsc.parallel_loop(0, N_SEG // L, unroll=4)
    def div_body(i):
      dl = pl.ds(i * L, L)
      inv = cnt_rd[dl]
      acc0[dl] = acc0[dl] * inv
      acc1[dl] = acc1[dl] * inv

    pltpu.sync_copy(acc0, out_hbm.at[pl.ds(ch0 * N_SEG, N_SEG)])
    pltpu.sync_copy(acc1, out_hbm.at[pl.ds((ch0 + 1) * N_SEG, N_SEG)])

  return body(vals4d, map2d)


@jax.jit
def kernel(output, mapping):
  out = _sc_segment_mean(output, mapping.reshape(H, W))
  return out.reshape(8, 8, N_SEG)

# --- scband reference (transcript-rebuilt; emitter-appended) ---
"""Pipeline reference for scband-mean-to-era5-3530463117835 (READ-ONLY COPY).

The authoritative reference and input builder live on the scoring server;
editing this copy changes nothing except your own understanding.
"""

import jax, jax.numpy as jnp
import numpy as np

N_SEGMENTS = 4096

def setup_inputs(seed: int = 0) -> dict:
    key = jax.random.key(seed)
    k1, k2 = jax.random.split(key)
    output = jax.random.normal(k1, (8, 8, 512, 512), dtype=jnp.float32)
    mapping = jax.random.randint(k2, (512 * 512,), 0, N_SEGMENTS, dtype=jnp.int32)
    return {"output": output, "mapping": mapping}

def reference(output, mapping):
    # Flatten the last two spatial dims (H, W) -> N, matching output.view(..., H*W)
    x = output.reshape(output.shape[:-2] + (output.shape[-2] * output.shape[-1],))
    lead_shape = x.shape[:-1]
    n_points = x.shape[-1]
    flat = x.reshape(-1, n_points)  # [B*C, N]
    # Stable-sort + split + mean over each mapping group == segment mean.
    # Groups are emitted in sorted order of unique mapping values; with full
    # coverage of [0, N_SEGMENTS) this equals segment ids 0..S-1.
    sums = jax.ops.segment_sum(flat.T, mapping, num_segments=N_SEGMENTS)  # [S, B*C]
    counts = jnp.bincount(mapping, length=N_SEGMENTS).astype(x.dtype)
    means = sums / jnp.maximum(counts, 1)[:, None]
    out = means.T.reshape(lead_shape + (N_SEGMENTS,))
    return out

if __name__ == "__main__":
    import jax
    _d = setup_inputs()
    print(jax.jit(kernel)(*tuple(_d.values())))

</pallas_src>

<mosaic_0001>
#map = affine_map<(d0, d1) -> (0, 0, 0, 0)>
#map1 = affine_map<(d0, d1) -> (0, 0)>
#map2 = affine_map<(d0, d1) -> (0)>
module attributes {stable_mosaic.version = 14 : i64} {
  func.func @body(%arg0: i32, %arg1: i32, %arg2: memref<8x8x512x512xf32, #tpu.memory_space<hbm>>, %arg3: memref<512x512xi32, #tpu.memory_space<hbm>>, %arg4: memref<262144xf32, #tpu.memory_space<hbm>>, %arg5: memref<2x32x512xi32, #tpu.memory_space<vmem>>, %arg6: memref<2x32x512xf32, #tpu.memory_space<vmem>>, %arg7: memref<2x32x512xf32, #tpu.memory_space<vmem>>, %arg8: memref<4096xf32, #tpu.memory_space<vmem>>, %arg9: memref<4096xf32, #tpu.memory_space<vmem>>, %arg10: memref<4096xf32, #tpu.memory_space<vmem>>, %arg11: memref<4096xf32, #tpu.memory_space<vmem>>, %arg12: memref<65536xf32, #tpu.memory_space<vmem_shared>>, %arg13: memref<4096xf32, #tpu.memory_space<vmem_shared>>, %arg14: memref<!tpu.dma_semaphore, #tpu.memory_space<semaphore_mem>>, %arg15: memref<!tpu.dma_semaphore, #tpu.memory_space<semaphore_mem>>) attributes {dimension_semantics = [#tpu.dimension_semantics<core_parallel>, #tpu.dimension_semantics<subcore_parallel>], iteration_bounds = array<i64: 2, 16>, scalar_prefetch = 0 : i64, scratch_operands = 11 : i64, tpu.core_type = #tpu.core_type<sc_vector_subcore>, window_params = [{transform_indices = #map}, {transform_indices = #map1}, {transform_indices = #map2}]} {
    %mul3A = arith.constant 2 : i32
    %mul3A_0 = arith.muli %arg1, %mul3A : i32
    %add3A = arith.addi %mul3A_0, %arg0 : i32
    %broadcast_in_dim3A = arith.constant 0.000000e+00 : f32
    %broadcast_in_dim3A_1 = vector.broadcast %broadcast_in_dim3A : f32 to vector<16xf32>
    %parallel_loop3A = arith.constant 0 : i32
    %parallel_loop3A_2 = arith.constant 256 : i32
    %parallel_loop3A_3 = arith.constant 1 : i32
    scf.for %parallel_loop3A_311 = %parallel_loop3A to %parallel_loop3A_2 step %parallel_loop3A_3  : i32 {
      %parallel_loop3A_312 = arith.constant 16 : i32
      %parallel_loop3A_313 = arith.muli %parallel_loop3A_311, %parallel_loop3A_312 : i32
      %parallel_loop3A_314 = arith.index_cast %parallel_loop3A_313 : i32 to index
      %parallel_loop3A_315 = tpu.vector_load %arg8[%parallel_loop3A_314] {strides = array<i32>} : memref<4096xf32, #tpu.memory_space<vmem>>, vector<16xf32>,
      tpu.vector_store %arg8[%parallel_loop3A_314], %broadcast_in_dim3A_1 {strides = array<i32>} : memref<4096xf32, #tpu.memory_space<vmem>>, vector<16xf32>,
      %parallel_loop3A_316 = arith.index_cast %parallel_loop3A_313 : i32 to index
      %parallel_loop3A_317 = tpu.vector_load %arg9[%parallel_loop3A_316] {strides = array<i32>} : memref<4096xf32, #tpu.memory_space<vmem>>, vector<16xf32>,
      tpu.vector_store %arg9[%parallel_loop3A_316], %broadcast_in_dim3A_1 {strides = array<i32>} : memref<4096xf32, #tpu.memory_space<vmem>>, vector<16xf32>,
      %parallel_loop3A_318 = arith.index_cast %parallel_loop3A_313 : i32 to index
      %parallel_loop3A_319 = tpu.vector_load %arg10[%parallel_loop3A_318] {strides = array<i32>} : memref<4096xf32, #tpu.memory_space<vmem>>, vector<16xf32>,
      tpu.vector_store %arg10[%parallel_loop3A_318], %broadcast_in_dim3A_1 {strides = array<i32>} : memref<4096xf32, #tpu.memory_space<vmem>>, vector<16xf32>,
    } {sc.loop_unroll_factor = 4 : i64, sc.parallel_access}
    %broadcast_in_dim3A_4 = arith.constant 1.000000e+00 : f32
    %broadcast_in_dim3A_5 = vector.broadcast %broadcast_in_dim3A_4 : f32 to vector<16xf32>
    %mul3A_6 = arith.constant 32 : i32
    %mul3A_7 = arith.muli %arg1, %mul3A_6 : i32
    %run_scoped3A = arith.constant 0 : i32
    "tpu.region"() ({
      %run_scoped3A_311 = tpu.sem_alloc : memref<!tpu.dma_semaphore, #tpu.memory_space<semaphore_mem>>
      %dma_start3A_312 = arith.constant 0 : i32
      %dma_start3A_313 = arith.constant 0 : i32
      %dma_start3A_314 = tpu.memref_slice %arg5[%run_scoped3A, %dma_start3A_312, %dma_start3A_313] : memref<2x32x512xi32, #tpu.memory_space<vmem>> -> memref<1x32x512xi32, #tpu.memory_space<vmem>>
      %dma_start3A_315 = tpu.memref_squeeze %dma_start3A_314 : memref<1x32x512xi32, #tpu.memory_space<vmem>> -> memref<32x512xi32, #tpu.memory_space<vmem>>
      %dma_start3A_316 = arith.constant 0 : i32
      %dma_start3A_317 = tpu.memref_slice %arg3[%mul3A_7, %dma_start3A_316] : memref<512x512xi32, #tpu.memory_space<hbm>> -> memref<32x512xi32, #tpu.memory_space<hbm>>
      %dma_start3A_318 = arith.constant 0 : i32
      %dma_start3A_319 = arith.constant 0 : i32
      %dma_start3A_320 = tpu.memref_slice %arg5[%run_scoped3A, %dma_start3A_318, %dma_start3A_319] : memref<2x32x512xi32, #tpu.memory_space<vmem>> -> memref<1x32x512xi32, #tpu.memory_space<vmem>>
      %dma_start3A_321 = tpu.memref_squeeze %dma_start3A_320 : memref<1x32x512xi32, #tpu.memory_space<vmem>> -> memref<32x512xi32, #tpu.memory_space<vmem>>
      %dma_start3A_322 = arith.constant 0 : i32
      %dma_start3A_323 = tpu.memref_slice %arg3[%mul3A_7, %dma_start3A_322] : memref<512x512xi32, #tpu.memory_space<hbm>> -> memref<32x512xi32, #tpu.memory_space<hbm>>
      tpu.enqueue_dma source(%dma_start3A_323 : memref<32x512xi32, #tpu.memory_space<hbm>>) target(%dma_start3A_321 : memref<32x512xi32, #tpu.memory_space<vmem>>) target_semaphore(%run_scoped3A_311 : memref<!tpu.dma_semaphore, #tpu.memory_space<semaphore_mem>>)
      %dma_wait3A_324 = arith.constant 0 : i32
      %dma_wait3A_325 = arith.constant 0 : i32
      %dma_wait3A_326 = tpu.memref_slice %arg5[%run_scoped3A, %dma_wait3A_324, %dma_wait3A_325] : memref<2x32x512xi32, #tpu.memory_space<vmem>> -> memref<1x32x512xi32, #tpu.memory_space<vmem>>
      %dma_wait3A_327 = tpu.memref_squeeze %dma_wait3A_326 : memref<1x32x512xi32, #tpu.memory_space<vmem>> -> memref<32x512xi32, #tpu.memory_space<vmem>>
      %dma_wait3A_328 = arith.constant 0 : i32
      %dma_wait3A_329 = tpu.memref_slice %arg3[%mul3A_7, %dma_wait3A_328] : memref<512x512xi32, #tpu.memory_space<hbm>> -> memref<32x512xi32, #tpu.memory_space<hbm>>
      %dma_wait3A_330 = arith.constant 0 : i32
      %dma_wait3A_331 = arith.constant 0 : i32
      %dma_wait3A_332 = tpu.memref_slice %arg5[%run_scoped3A, %dma_wait3A_330, %dma_wait3A_331] : memref<2x32x512xi32, #tpu.memory_space<vmem>> -> memref<1x32x512xi32, #tpu.memory_space<vmem>>
      %dma_wait3A_333 = tpu.memref_squeeze %dma_wait3A_332 : memref<1x32x512xi32, #tpu.memory_space<vmem>> -> memref<32x512xi32, #tpu.memory_space<vmem>>
      %dma_wait3A_334 = arith.constant 0 : i32
      %dma_wait3A_335 = tpu.memref_slice %arg3[%mul3A_7, %dma_wait3A_334] : memref<512x512xi32, #tpu.memory_space<hbm>> -> memref<32x512xi32, #tpu.memory_space<hbm>>
      tpu.wait_dma2 semaphore(%run_scoped3A_311 : memref<!tpu.dma_semaphore, #tpu.memory_space<semaphore_mem>>) src(%dma_wait3A_335 : memref<32x512xi32, #tpu.memory_space<hbm>>) dst(%dma_wait3A_333 : memref<32x512xi32, #tpu.memory_space<vmem>>)
      tpu.yield
    }) : () -> ()
    %parallel_loop3A_8 = arith.constant 0 : i32
    %parallel_loop3A_9 = arith.constant 1024 : i32
    %parallel_loop3A_10 = arith.constant 1 : i32
    scf.for %parallel_loop3A_311 = %parallel_loop3A_8 to %parallel_loop3A_9 step %parallel_loop3A_10  : i32 {
      %parallel_loop3A_312 = arith.constant 5 : i32
      %parallel_loop3A_313 = arith.shrui %parallel_loop3A_311, %parallel_loop3A_312 : i32
      %parallel_loop3A_314 = arith.constant 31 : i32
      %parallel_loop3A_315 = arith.andi %parallel_loop3A_311, %parallel_loop3A_314 : i32
      %parallel_loop3A_316 = arith.constant 4 : i32
      %parallel_loop3A_317 = arith.shli %parallel_loop3A_315, %parallel_loop3A_316 : i32
      %parallel_loop3A_318 = arith.constant 0 : i32
      %parallel_loop3A_319 = arith.index_cast %parallel_loop3A_318 : i32 to index
      %parallel_loop3A_320 = arith.index_cast %parallel_loop3A_313 : i32 to index
      %parallel_loop3A_321 = arith.index_cast %parallel_loop3A_317 : i32 to index
      %parallel_loop3A_322 = tpu.vector_load %arg5[%parallel_loop3A_319, %parallel_loop3A_320, %parallel_loop3A_321] {strides = array<i32>} : memref<2x32x512xi32, #tpu.memory_space<vmem>>, vector<16xi32>,
      tpu.vector_store_idx %arg10[%parallel_loop3A_322], %broadcast_in_dim3A_5 {add = true} : memref<4096xf32, #tpu.memory_space<vmem>>[vector<16xi32>], vector<16xf32>,
    } {sc.loop_unroll_factor = 8 : i64, sc.parallel_access}
    %mul3A_11 = arith.constant 4096 : i32
    %mul3A_12 = arith.muli %arg1, %mul3A_11 : i32
    "tpu.region"() ({
      %run_scoped3A_311 = tpu.sem_alloc : memref<!tpu.dma_semaphore, #tpu.memory_space<semaphore_mem>>
      %dma_start3A_312 = tpu.memref_slice %arg12[%mul3A_12] : memref<65536xf32, #tpu.memory_space<vmem_shared>> -> memref<4096xf32, #tpu.memory_space<vmem_shared>>
      %dma_start3A_313 = tpu.memref_slice %arg12[%mul3A_12] : memref<65536xf32, #tpu.memory_space<vmem_shared>> -> memref<4096xf32, #tpu.memory_space<vmem_shared>>
      tpu.enqueue_dma source(%arg10 : memref<4096xf32, #tpu.memory_space<vmem>>) target(%dma_start3A_313 : memref<4096xf32, #tpu.memory_space<vmem_shared>>) target_semaphore(%run_scoped3A_311 : memref<!tpu.dma_semaphore, #tpu.memory_space<semaphore_mem>>)
      %dma_wait3A_314 = tpu.memref_slice %arg12[%mul3A_12] : memref<65536xf32, #tpu.memory_space<vmem_shared>> -> memref<4096xf32, #tpu.memory_space<vmem_shared>>
      %dma_wait3A_315 = tpu.memref_slice %arg12[%mul3A_12] : memref<65536xf32, #tpu.memory_space<vmem_shared>> -> memref<4096xf32, #tpu.memory_space<vmem_shared>>
      tpu.wait_dma2 semaphore(%run_scoped3A_311 : memref<!tpu.dma_semaphore, #tpu.memory_space<semaphore_mem>>) src(%arg10 : memref<4096xf32, #tpu.memory_space<vmem>>) dst(%dma_wait3A_315 : memref<4096xf32, #tpu.memory_space<vmem_shared>>)
      tpu.yield
    }) : () -> ()
    %barrier3A = arith.constant 0 : index
    tpu.barrier barrier_id(%barrier3A)
    %mul3A_13 = arith.constant 2 : i32
    %mul3A_14 = arith.muli %add3A, %mul3A_13 : i32
    %shift_right_logical3A = arith.constant 3 : i32
    %shift_right_logical3A_15 = arith.shrui %mul3A_14, %shift_right_logical3A : i32
    %and3A = arith.constant 7 : i32
    %and3A_16 = arith.andi %mul3A_14, %and3A : i32
    %add3A_17 = arith.constant 1 : i32
    %add3A_18 = arith.addi %mul3A_14, %add3A_17 : i32
    %shift_right_logical3A_19 = arith.constant 3 : i32
    %shift_right_logical3A_20 = arith.shrui %add3A_18, %shift_right_logical3A_19 : i32
    %add3A_21 = arith.constant 1 : i32
    %add3A_22 = arith.addi %mul3A_14, %add3A_21 : i32
    %and3A_23 = arith.constant 7 : i32
    %and3A_24 = arith.andi %add3A_22, %and3A_23 : i32
    %dma_start3A = arith.constant 0 : i32
    %dma_start3A_25 = arith.constant 0 : i32
    %dma_start3A_26 = arith.constant 0 : i32
    %dma_start3A_27 = tpu.memref_slice %arg5[%dma_start3A, %dma_start3A_25, %dma_start3A_26] : memref<2x32x512xi32, #tpu.memory_space<vmem>> -> memref<1x32x512xi32, #tpu.memory_space<vmem>>
    %dma_start3A_28 = tpu.memref_squeeze %dma_start3A_27 : memref<1x32x512xi32, #tpu.memory_space<vmem>> -> memref<32x512xi32, #tpu.memory_space<vmem>>
    %dma_start3A_29 = arith.constant 0 : i32
    %dma_start3A_30 = arith.constant 0 : i32
    %dma_start3A_31 = tpu.memref_slice %arg3[%dma_start3A_29, %dma_start3A_30] : memref<512x512xi32, #tpu.memory_space<hbm>> -> memref<32x512xi32, #tpu.memory_space<hbm>>
    %dma_start3A_32 = arith.constant 0 : i32
    %dma_start3A_33 = arith.constant 0 : i32
    %dma_start3A_34 = tpu.memref_slice %arg5[%dma_start3A, %dma_start3A_32, %dma_start3A_33] : memref<2x32x512xi32, #tpu.memory_space<vmem>> -> memref<1x32x512xi32, #tpu.memory_space<vmem>>
    %dma_start3A_35 = tpu.memref_squeeze %dma_start3A_34 : memref<1x32x512xi32, #tpu.memory_space<vmem>> -> memref<32x512xi32, #tpu.memory_space<vmem>>
    %dma_start3A_36 = arith.constant 0 : i32
    %dma_start3A_37 = arith.constant 0 : i32
    %dma_start3A_38 = tpu.memref_slice %arg3[%dma_start3A_36, %dma_start3A_37] : memref<512x512xi32, #tpu.memory_space<hbm>> -> memref<32x512xi32, #tpu.memory_space<hbm>>
    tpu.enqueue_dma source(%dma_start3A_38 : memref<32x512xi32, #tpu.memory_space<hbm>>) target(%dma_start3A_35 : memref<32x512xi32, #tpu.memory_space<vmem>>) target_semaphore(%arg14 : memref<!tpu.dma_semaphore, #tpu.memory_space<semaphore_mem>>)
    %dma_start3A_39 = arith.constant 0 : i32
    %dma_start3A_40 = arith.constant 0 : i32
    %dma_start3A_41 = arith.constant 0 : i32
    %dma_start3A_42 = tpu.memref_slice %arg6[%dma_start3A_39, %dma_start3A_40, %dma_start3A_41] : memref<2x32x512xf32, #tpu.memory_space<vmem>> -> memref<1x32x512xf32, #tpu.memory_space<vmem>>
    %dma_start3A_43 = tpu.memref_squeeze %dma_start3A_42 : memref<1x32x512xf32, #tpu.memory_space<vmem>> -> memref<32x512xf32, #tpu.memory_space<vmem>>
    %dma_start3A_44 = arith.constant 0 : i32
    %dma_start3A_45 = arith.constant 0 : i32
    %dma_start3A_46 = tpu.memref_slice %arg2[%shift_right_logical3A_15, %and3A_16, %dma_start3A_44, %dma_start3A_45] : memref<8x8x512x512xf32, #tpu.memory_space<hbm>> -> memref<1x1x32x512xf32, #tpu.memory_space<hbm>>
    %dma_start3A_47 = tpu.memref_squeeze %dma_start3A_46 : memref<1x1x32x512xf32, #tpu.memory_space<hbm>> -> memref<32x512xf32, #tpu.memory_space<hbm>>
    %dma_start3A_48 = arith.constant 0 : i32
    %dma_start3A_49 = arith.constant 0 : i32
    %dma_start3A_50 = tpu.memref_slice %arg6[%dma_start3A_39, %dma_start3A_48, %dma_start3A_49] : memref<2x32x512xf32, #tpu.memory_space<vmem>> -> memref<1x32x512xf32, #tpu.memory_space<vmem>>
    %dma_start3A_51 = tpu.memref_squeeze %dma_start3A_50 : memref<1x32x512xf32, #tpu.memory_space<vmem>> -> memref<32x512xf32, #tpu.memory_space<vmem>>
    %dma_start3A_52 = arith.constant 0 : i32
    %dma_start3A_53 = arith.constant 0 : i32
    %dma_start3A_54 = tpu.memref_slice %arg2[%shift_right_logical3A_15, %and3A_16, %dma_start3A_52, %dma_start3A_53] : memref<8x8x512x512xf32, #tpu.memory_space<hbm>> -> memref<1x1x32x512xf32, #tpu.memory_space<hbm>>
    %dma_start3A_55 = tpu.memref_squeeze %dma_start3A_54 : memref<1x1x32x512xf32, #tpu.memory_space<hbm>> -> memref<32x512xf32, #tpu.memory_space<hbm>>
    tpu.enqueue_dma source(%dma_start3A_55 : memref<32x512xf32, #tpu.memory_space<hbm>>) target(%dma_start3A_51 : memref<32x512xf32, #tpu.memory_space<vmem>>) target_semaphore(%arg14 : memref<!tpu.dma_semaphore, #tpu.memory_space<semaphore_mem>>)
    %dma_start3A_56 = arith.constant 0 : i32
    %dma_start3A_57 = arith.constant 0 : i32
    %dma_start3A_58 = arith.constant 0 : i32
    %dma_start3A_59 = tpu.memref_slice %arg7[%dma_start3A_56, %dma_start3A_57, %dma_start3A_58] : memref<2x32x512xf32, #tpu.memory_space<vmem>> -> memref<1x32x512xf32, #tpu.memory_space<vmem>>
    %dma_start3A_60 = tpu.memref_squeeze %dma_start3A_59 : memref<1x32x512xf32, #tpu.memory_space<vmem>> -> memref<32x512xf32, #tpu.memory_space<vmem>>
    %dma_start3A_61 = arith.constant 0 : i32
    %dma_start3A_62 = arith.constant 0 : i32
    %dma_start3A_63 = tpu.memref_slice %arg2[%shift_right_logical3A_20, %and3A_24, %dma_start3A_61, %dma_start3A_62] : memref<8x8x512x512xf32, #tpu.memory_space<hbm>> -> memref<1x1x32x512xf32, #tpu.memory_space<hbm>>
    %dma_start3A_64 = tpu.memref_squeeze %dma_start3A_63 : memref<1x1x32x512xf32, #tpu.memory_space<hbm>> -> memref<32x512xf32, #tpu.memory_space<hbm>>
    %dma_start3A_65 = arith.constant 0 : i32
    %dma_start3A_66 = arith.constant 0 : i32
    %dma_start3A_67 = tpu.memref_slice %arg7[%dma_start3A_56, %dma_start3A_65, %dma_start3A_66] : memref<2x32x512xf32, #tpu.memory_space<vmem>> -> memref<1x32x512xf32, #tpu.memory_space<vmem>>
    %dma_start3A_68 = tpu.memref_squeeze %dma_start3A_67 : memref<1x32x512xf32, #tpu.memory_space<vmem>> -> memref<32x512xf32, #tpu.memory_space<vmem>>
    %dma_start3A_69 = arith.constant 0 : i32
    %dma_start3A_70 = arith.constant 0 : i32
    %dma_start3A_71 = tpu.memref_slice %arg2[%shift_right_logical3A_20, %and3A_24, %dma_start3A_69, %dma_start3A_70] : memref<8x8x512x512xf32, #tpu.memory_space<hbm>> -> memref<1x1x32x512xf32, #tpu.memory_space<hbm>>
    %dma_start3A_72 = tpu.memref_squeeze %dma_start3A_71 : memref<1x1x32x512xf32, #tpu.memory_space<hbm>> -> memref<32x512xf32, #tpu.memory_space<hbm>>
    tpu.enqueue_dma source(%dma_start3A_72 : memref<32x512xf32, #tpu.memory_space<hbm>>) target(%dma_start3A_68 : memref<32x512xf32, #tpu.memory_space<vmem>>) target_semaphore(%arg14 : memref<!tpu.dma_semaphore, #tpu.memory_space<semaphore_mem>>)
    %dma_start3A_73 = arith.constant 1 : i32
    %dma_start3A_74 = arith.constant 0 : i32
    %dma_start3A_75 = arith.constant 0 : i32
    %dma_start3A_76 = tpu.memref_slice %arg5[%dma_start3A_73, %dma_start3A_74, %dma_start3A_75] : memref<2x32x512xi32, #tpu.memory_space<vmem>> -> memref<1x32x512xi32, #tpu.memory_space<vmem>>
    %dma_start3A_77 = tpu.memref_squeeze %dma_start3A_76 : memref<1x32x512xi32, #tpu.memory_space<vmem>> -> memref<32x512xi32, #tpu.memory_space<vmem>>
    %dma_start3A_78 = arith.constant 32 : i32
    %dma_start3A_79 = arith.constant 0 : i32
    %dma_start3A_80 = tpu.memref_slice %arg3[%dma_start3A_78, %dma_start3A_79] : memref<512x512xi32, #tpu.memory_space<hbm>> -> memref<32x512xi32, #tpu.memory_space<hbm>>
    %dma_start3A_81 = arith.constant 0 : i32
    %dma_start3A_82 = arith.constant 0 : i32
    %dma_start3A_83 = tpu.memref_slice %arg5[%dma_start3A_73, %dma_start3A_81, %dma_start3A_82] : memref<2x32x512xi32, #tpu.memory_space<vmem>> -> memref<1x32x512xi32, #tpu.memory_space<vmem>>
    %dma_start3A_84 = tpu.memref_squeeze %dma_start3A_83 : memref<1x32x512xi32, #tpu.memory_space<vmem>> -> memref<32x512xi32, #tpu.memory_space<vmem>>
    %dma_start3A_85 = arith.constant 32 : i32
    %dma_start3A_86 = arith.constant 0 : i32
    %dma_start3A_87 = tpu.memref_slice %arg3[%dma_start3A_85, %dma_start3A_86] : memref<512x512xi32, #tpu.memory_space<hbm>> -> memref<32x512xi32, #tpu.memory_space<hbm>>
    tpu.enqueue_dma source(%dma_start3A_87 : memref<32x512xi32, #tpu.memory_space<hbm>>) target(%dma_start3A_84 : memref<32x512xi32, #tpu.memory_space<vmem>>) target_semaphore(%arg15 : memref<!tpu.dma_semaphore, #tpu.memory_space<semaphore_mem>>)
    %dma_start3A_88 = arith.constant 1 : i32
    %dma_start3A_89 = arith.constant 0 : i32
    %dma_start3A_90 = arith.constant 0 : i32
    %dma_start3A_91 = tpu.memref_slice %arg6[%dma_start3A_88, %dma_start3A_89, %dma_start3A_90] : memref<2x32x512xf32, #tpu.memory_space<vmem>> -> memref<1x32x512xf32, #tpu.memory_space<vmem>>
    %dma_start3A_92 = tpu.memref_squeeze %dma_start3A_91 : memref<1x32x512xf32, #tpu.memory_space<vmem>> -> memref<32x512xf32, #tpu.memory_space<vmem>>
    %dma_start3A_93 = arith.constant 32 : i32
    %dma_start3A_94 = arith.constant 0 : i32
    %dma_start3A_95 = tpu.memref_slice %arg2[%shift_right_logical3A_15, %and3A_16, %dma_start3A_93, %dma_start3A_94] : memref<8x8x512x512xf32, #tpu.memory_space<hbm>> -> memref<1x1x32x512xf32, #tpu.memory_space<hbm>>
    %dma_start3A_96 = tpu.memref_squeeze %dma_start3A_95 : memref<1x1x32x512xf32, #tpu.memory_space<hbm>> -> memref<32x512xf32, #tpu.memory_space<hbm>>
    %dma_start3A_97 = arith.constant 0 : i32
    %dma_start3A_98 = arith.constant 0 : i32
    %dma_start3A_99 = tpu.memref_slice %arg6[%dma_start3A_88, %dma_start3A_97, %dma_start3A_98] : memref<2x32x512xf32, #tpu.memory_space<vmem>> -> memref<1x32x512xf32, #tpu.memory_space<vmem>>
    %dma_start3A_100 = tpu.memref_squeeze %dma_start3A_99 : memref<1x32x512xf32, #tpu.memory_space<vmem>> -> memref<32x512xf32, #tpu.memory_space<vmem>>
    %dma_start3A_101 = arith.constant 32 : i32
    %dma_start3A_102 = arith.constant 0 : i32
    %dma_start3A_103 = tpu.memref_slice %arg2[%shift_right_logical3A_15, %and3A_16, %dma_start3A_101, %dma_start3A_102] : memref<8x8x512x512xf32, #tpu.memory_space<hbm>> -> memref<1x1x32x512xf32, #tpu.memory_space<hbm>>
    %dma_start3A_104 = tpu.memref_squeeze %dma_start3A_103 : memref<1x1x32x512xf32, #tpu.memory_space<hbm>> -> memref<32x512xf32, #tpu.memory_space<hbm>>
    tpu.enqueue_dma source(%dma_start3A_104 : memref<32x512xf32, #tpu.memory_space<hbm>>) target(%dma_start3A_100 : memref<32x512xf32, #tpu.memory_space<vmem>>) target_semaphore(%arg15 : memref<!tpu.dma_semaphore, #tpu.memory_space<semaphore_mem>>)
    %dma_start3A_105 = arith.constant 1 : i32
    %dma_start3A_106 = arith.constant 0 : i32
    %dma_start3A_107 = arith.constant 0 : i32
    %dma_start3A_108 = tpu.memref_slice %arg7[%dma_start3A_105, %dma_start3A_106, %dma_start3A_107] : memref<2x32x512xf32, #tpu.memory_space<vmem>> -> memref<1x32x512xf32, #tpu.memory_space<vmem>>
    %dma_start3A_109 = tpu.memref_squeeze %dma_start3A_108 : memref<1x32x512xf32, #tpu.memory_space<vmem>> -> memref<32x512xf32, #tpu.memory_space<vmem>>
    %dma_start3A_110 = arith.constant 32 : i32
    %dma_start3A_111 = arith.constant 0 : i32
    %dma_start3A_112 = tpu.memref_slice %arg2[%shift_right_logical3A_20, %and3A_24, %dma_start3A_110, %dma_start3A_111] : memref<8x8x512x512xf32, #tpu.memory_space<hbm>> -> memref<1x1x32x512xf32, #tpu.memory_space<hbm>>
    %dma_start3A_113 = tpu.memref_squeeze %dma_start3A_112 : memref<1x1x32x512xf32, #tpu.memory_space<hbm>> -> memref<32x512xf32, #tpu.memory_space<hbm>>
    %dma_start3A_114 = arith.constant 0 : i32
    %dma_start3A_115 = arith.constant 0 : i32
    %dma_start3A_116 = tpu.memref_slice %arg7[%dma_start3A_105, %dma_start3A_114, %dma_start3A_115] : memref<2x32x512xf32, #tpu.memory_space<vmem>> -> memref<1x32x512xf32, #tpu.memory_space<vmem>>
    %dma_start3A_117 = tpu.memref_squeeze %dma_start3A_116 : memref<1x32x512xf32, #tpu.memory_space<vmem>> -> memref<32x512xf32, #tpu.memory_space<vmem>>
    %dma_start3A_118 = arith.constant 32 : i32
    %dma_start3A_119 = arith.constant 0 : i32
    %dma_start3A_120 = tpu.memref_slice %arg2[%shift_right_logical3A_20, %and3A_24, %dma_start3A_118, %dma_start3A_119] : memref<8x8x512x512xf32, #tpu.memory_space<hbm>> -> memref<1x1x32x512xf32, #tpu.memory_space<hbm>>
    %dma_start3A_121 = tpu.memref_squeeze %dma_start3A_120 : memref<1x1x32x512xf32, #tpu.memory_space<hbm>> -> memref<32x512xf32, #tpu.memory_space<hbm>>
    tpu.enqueue_dma source(%dma_start3A_121 : memref<32x512xf32, #tpu.memory_space<hbm>>) target(%dma_start3A_117 : memref<32x512xf32, #tpu.memory_space<vmem>>) target_semaphore(%arg15 : memref<!tpu.dma_semaphore, #tpu.memory_space<semaphore_mem>>)
    %scan3A = arith.constant 0 : i32
    %scan3A_122 = arith.constant 0 : i32
    %scan3A_123 = arith.constant 7 : i32
    %scan3A_124 = arith.addi %scan3A_122, %scan3A_123 : i32
    %scan3A_125 = arith.constant 1 : i32
    scf.for %scan3A_311 = %scan3A_122 to %scan3A_124 step %scan3A_125  : i32 {
      %mul3A_312 = arith.constant 2 : i32
      %mul3A_313 = arith.muli %mul3A_312, %scan3A_311 : i32
      %mul3A_314 = arith.constant 32 : i32
      %mul3A_315 = arith.muli %mul3A_313, %mul3A_314 : i32
      %dma_wait3A_316 = arith.constant 0 : i32
      %dma_wait3A_317 = arith.constant 0 : i32
      %dma_wait3A_318 = arith.constant 0 : i32
      %dma_wait3A_319 = tpu.memref_slice %arg5[%dma_wait3A_316, %dma_wait3A_317, %dma_wait3A_318] : memref<2x32x512xi32, #tpu.memory_space<vmem>> -> memref<1x32x512xi32, #tpu.memory_space<vmem>>
      %dma_wait3A_320 = tpu.memref_squeeze %dma_wait3A_319 : memref<1x32x512xi32, #tpu.memory_space<vmem>> -> memref<32x512xi32, #tpu.memory_space<vmem>>
      %dma_wait3A_321 = arith.constant 0 : i32
      %dma_wait3A_322 = tpu.memref_slice %arg3[%mul3A_315, %dma_wait3A_321] : memref<512x512xi32, #tpu.memory_space<hbm>> -> memref<32x512xi32, #tpu.memory_space<hbm>>
      %dma_wait3A_323 = arith.constant 0 : i32
      %dma_wait3A_324 = arith.constant 0 : i32
      %dma_wait3A_325 = tpu.memref_slice %arg5[%dma_wait3A_316, %dma_wait3A_323, %dma_wait3A_324] : memref<2x32x512xi32, #tpu.memory_space<vmem>> -> memref<1x32x512xi32, #tpu.memory_space<vmem>>
      %dma_wait3A_326 = tpu.memref_squeeze %dma_wait3A_325 : memref<1x32x512xi32, #tpu.memory_space<vmem>> -> memref<32x512xi32, #tpu.memory_space<vmem>>
      %dma_wait3A_327 = arith.constant 0 : i32
      %dma_wait3A_328 = tpu.memref_slice %arg3[%mul3A_315, %dma_wait3A_327] : memref<512x512xi32, #tpu.memory_space<hbm>> -> memref<32x512xi32, #tpu.memory_space<hbm>>
      tpu.wait_dma2 semaphore(%arg14 : memref<!tpu.dma_semaphore, #tpu.memory_space<semaphore_mem>>) src(%dma_wait3A_328 : memref<32x512xi32, #tpu.memory_space<hbm>>) dst(%dma_wait3A_326 : memref<32x512xi32, #tpu.memory_space<vmem>>)
      %dma_wait3A_329 = arith.constant 0 : i32
      %dma_wait3A_330 = arith.constant 0 : i32
      %dma_wait3A_331 = arith.constant 0 : i32
      %dma_wait3A_332 = tpu.memref_slice %arg6[%dma_wait3A_329, %dma_wait3A_330, %dma_wait3A_331] : memref<2x32x512xf32, #tpu.memory_space<vmem>> -> memref<1x32x512xf32, #tpu.memory_space<vmem>>
      %dma_wait3A_333 = tpu.memref_squeeze %dma_wait3A_332 : memref<1x32x512xf32, #tpu.memory_space<vmem>> -> memref<32x512xf32, #tpu.memory_space<vmem>>
      %dma_wait3A_334 = arith.constant 0 : i32
      %dma_wait3A_335 = tpu.memref_slice %arg2[%shift_right_logical3A_15, %and3A_16, %mul3A_315, %dma_wait3A_334] : memref<8x8x512x512xf32, #tpu.memory_space<hbm>> -> memref<1x1x32x512xf32, #tpu.memory_space<hbm>>
      %dma_wait3A_336 = tpu.memref_squeeze %dma_wait3A_335 : memref<1x1x32x512xf32, #tpu.memory_space<hbm>> -> memref<32x512xf32, #tpu.memory_space<hbm>>
      %dma_wait3A_337 = arith.constant 0 : i32
      %dma_wait3A_338 = arith.constant 0 : i32
      %dma_wait3A_339 = tpu.memref_slice %arg6[%dma_wait3A_329, %dma_wait3A_337, %dma_wait3A_338] : memref<2x32x512xf32, #tpu.memory_space<vmem>> -> memref<1x32x512xf32, #tpu.memory_space<vmem>>
      %dma_wait3A_340 = tpu.memref_squeeze %dma_wait3A_339 : memref<1x32x512xf32, #tpu.memory_space<vmem>> -> memref<32x512xf32, #tpu.memory_space<vmem>>
      %dma_wait3A_341 = arith.constant 0 : i32
      %dma_wait3A_342 = tpu.memref_slice %arg2[%shift_right_logical3A_15, %and3A_16, %mul3A_315, %dma_wait3A_341] : memref<8x8x512x512xf32, #tpu.memory_space<hbm>> -> memref<1x1x32x512xf32, #tpu.memory_space<hbm>>
      %dma_wait3A_343 = tpu.memref_squeeze %dma_wait3A_342 : memref<1x1x32x512xf32, #tpu.memory_space<hbm>> -> memref<32x512xf32, #tpu.memory_space<hbm>>
      tpu.wait_dma2 semaphore(%arg14 : memref<!tpu.dma_semaphore, #tpu.memory_space<semaphore_mem>>) src(%dma_wait3A_343 : memref<32x512xf32, #tpu.memory_space<hbm>>) dst(%dma_wait3A_340 : memref<32x512xf32, #tpu.memory_space<vmem>>)
      %dma_wait3A_344 = arith.constant 0 : i32
      %dma_wait3A_345 = arith.constant 0 : i32
      %dma_wait3A_346 = arith.constant 0 : i32
      %dma_wait3A_347 = tpu.memref_slice %arg7[%dma_wait3A_344, %dma_wait3A_345, %dma_wait3A_346] : memref<2x32x512xf32, #tpu.memory_space<vmem>> -> memref<1x32x512xf32, #tpu.memory_space<vmem>>
      %dma_wait3A_348 = tpu.memref_squeeze %dma_wait3A_347 : memref<1x32x512xf32, #tpu.memory_space<vmem>> -> memref<32x512xf32, #tpu.memory_space<vmem>>
      %dma_wait3A_349 = arith.constant 0 : i32
      %dma_wait3A_350 = tpu.memref_slice %arg2[%shift_right_logical3A_20, %and3A_24, %mul3A_315, %dma_wait3A_349] : memref<8x8x512x512xf32, #tpu.memory_space<hbm>> -> memref<1x1x32x512xf32, #tpu.memory_space<hbm>>
      %dma_wait3A_351 = tpu.memref_squeeze %dma_wait3A_350 : memref<1x1x32x512xf32, #tpu.memory_space<hbm>> -> memref<32x512xf32, #tpu.memory_space<hbm>>
      %dma_wait3A_352 = arith.constant 0 : i32
      %dma_wait3A_353 = arith.constant 0 : i32
      %dma_wait3A_354 = tpu.memref_slice %arg7[%dma_wait3A_344, %dma_wait3A_352, %dma_wait3A_353] : memref<2x32x512xf32, #tpu.memory_space<vmem>> -> memref<1x32x512xf32, #tpu.memory_space<vmem>>
      %dma_wait3A_355 = tpu.memref_squeeze %dma_wait3A_354 : memref<1x32x512xf32, #tpu.memory_space<vmem>> -> memref<32x512xf32, #tpu.memory_space<vmem>>
      %dma_wait3A_356 = arith.constant 0 : i32
      %dma_wait3A_357 = tpu.memref_slice %arg2[%shift_right_logical3A_20, %and3A_24, %mul3A_315, %dma_wait3A_356] : memref<8x8x512x512xf32, #tpu.memory_space<hbm>> -> memref<1x1x32x512xf32, #tpu.memory_space<hbm>>
      %dma_wait3A_358 = tpu.memref_squeeze %dma_wait3A_357 : memref<1x1x32x512xf32, #tpu.memory_space<hbm>> -> memref<32x512xf32, #tpu.memory_space<hbm>>
      tpu.wait_dma2 semaphore(%arg14 : memref<!tpu.dma_semaphore, #tpu.memory_space<semaphore_mem>>) src(%dma_wait3A_358 : memref<32x512xf32, #tpu.memory_space<hbm>>) dst(%dma_wait3A_355 : memref<32x512xf32, #tpu.memory_space<vmem>>)
      %parallel_loop3A_359 = arith.constant 0 : i32
      %parallel_loop3A_360 = arith.constant 1024 : i32
      %parallel_loop3A_361 = arith.constant 1 : i32
      scf.for %parallel_loop3A_506 = %parallel_loop3A_359 to %parallel_loop3A_360 step %parallel_loop3A_361  : i32 {
        %parallel_loop3A_507 = arith.constant 5 : i32
        %parallel_loop3A_508 = arith.shrui %parallel_loop3A_506, %parallel_loop3A_507 : i32
        %parallel_loop3A_509 = arith.constant 31 : i32
        %parallel_loop3A_510 = arith.andi %parallel_loop3A_506, %parallel_loop3A_509 : i32
        %parallel_loop3A_511 = arith.constant 4 : i32
        %parallel_loop3A_512 = arith.shli %parallel_loop3A_510, %parallel_loop3A_511 : i32
        %parallel_loop3A_513 = arith.constant 0 : i32
        %parallel_loop3A_514 = arith.index_cast %parallel_loop3A_513 : i32 to index
        %parallel_loop3A_515 = arith.index_cast %parallel_loop3A_508 : i32 to index
        %parallel_loop3A_516 = arith.index_cast %parallel_loop3A_512 : i32 to index
        %parallel_loop3A_517 = tpu.vector_load %arg5[%parallel_loop3A_514, %parallel_loop3A_515, %parallel_loop3A_516] {strides = array<i32>} : memref<2x32x512xi32, #tpu.memory_space<vmem>>, vector<16xi32>,
        %parallel_loop3A_518 = arith.constant 0 : i32
        %parallel_loop3A_519 = arith.index_cast %parallel_loop3A_518 : i32 to index
        %parallel_loop3A_520 = arith.index_cast %parallel_loop3A_508 : i32 to index
        %parallel_loop3A_521 = arith.index_cast %parallel_loop3A_512 : i32 to index
        %parallel_loop3A_522 = tpu.vector_load %arg6[%parallel_loop3A_519, %parallel_loop3A_520, %parallel_loop3A_521] {strides = array<i32>} : memref<2x32x512xf32, #tpu.memory_space<vmem>>, vector<16xf32>,
        tpu.vector_store_idx %arg8[%parallel_loop3A_517], %parallel_loop3A_522 {add = true} : memref<4096xf32, #tpu.memory_space<vmem>>[vector<16xi32>], vector<16xf32>,
        %parallel_loop3A_523 = arith.constant 0 : i32
        %parallel_loop3A_524 = arith.index_cast %parallel_loop3A_523 : i32 to index
        %parallel_loop3A_525 = arith.index_cast %parallel_loop3A_508 : i32 to index
        %parallel_loop3A_526 = arith.index_cast %parallel_loop3A_512 : i32 to index
        %parallel_loop3A_527 = tpu.vector_load %arg7[%parallel_loop3A_524, %parallel_loop3A_525, %parallel_loop3A_526] {strides = array<i32>} : memref<2x32x512xf32, #tpu.memory_space<vmem>>, vector<16xf32>,
        tpu.vector_store_idx %arg9[%parallel_loop3A_517], %parallel_loop3A_527 {add = true} : memref<4096xf32, #tpu.memory_space<vmem>>[vector<16xi32>], vector<16xf32>,
      } {sc.loop_unroll_factor = 8 : i64, sc.parallel_access}
      %add3A_362 = arith.constant 2 : i32
      %add3A_363 = arith.addi %mul3A_313, %add3A_362 : i32
      %mul3A_364 = arith.constant 32 : i32
      %mul3A_365 = arith.muli %add3A_363, %mul3A_364 : i32
      %dma_start3A_366 = arith.constant 0 : i32
      %dma_start3A_367 = arith.constant 0 : i32
      %dma_start3A_368 = arith.constant 0 : i32
      %dma_start3A_369 = tpu.memref_slice %arg5[%dma_start3A_366, %dma_start3A_367, %dma_start3A_368] : memref<2x32x512xi32, #tpu.memory_space<vmem>> -> memref<1x32x512xi32, #tpu.memory_space<vmem>>
      %dma_start3A_370 = tpu.memref_squeeze %dma_start3A_369 : memref<1x32x512xi32, #tpu.memory_space<vmem>> -> memref<32x512xi32, #tpu.memory_space<vmem>>
      %dma_start3A_371 = arith.constant 0 : i32
      %dma_start3A_372 = tpu.memref_slice %arg3[%mul3A_365, %dma_start3A_371] : memref<512x512xi32, #tpu.memory_space<hbm>> -> memref<32x512xi32, #tpu.memory_space<hbm>>
      %dma_start3A_373 = arith.constant 0 : i32
      %dma_start3A_374 = arith.constant 0 : i32
      %dma_start3A_375 = tpu.memref_slice %arg5[%dma_start3A_366, %dma_start3A_373, %dma_start3A_374] : memref<2x32x512xi32, #tpu.memory_space<vmem>> -> memref<1x32x512xi32, #tpu.memory_space<vmem>>
      %dma_start3A_376 = tpu.memref_squeeze %dma_start3A_375 : memref<1x32x512xi32, #tpu.memory_space<vmem>> -> memref<32x512xi32, #tpu.memory_space<vmem>>
      %dma_start3A_377 = arith.constant 0 : i32
      %dma_start3A_378 = tpu.memref_slice %arg3[%mul3A_365, %dma_start3A_377] : memref<512x512xi32, #tpu.memory_space<hbm>> -> memref<32x512xi32, #tpu.memory_space<hbm>>
      tpu.enqueue_dma source(%dma_start3A_378 : memref<32x512xi32, #tpu.memory_space<hbm>>) target(%dma_start3A_376 : memref<32x512xi32, #tpu.memory_space<vmem>>) target_semaphore(%arg14 : memref<!tpu.dma_semaphore, #tpu.memory_space<semaphore_mem>>)
      %dma_start3A_379 = arith.constant 0 : i32
      %dma_start3A_380 = arith.constant 0 : i32
      %dma_start3A_381 = arith.constant 0 : i32
      %dma_start3A_382 = tpu.memref_slice %arg6[%dma_start3A_379, %dma_start3A_380, %dma_start3A_381] : memref<2x32x512xf32, #tpu.memory_space<vmem>> -> memref<1x32x512xf32, #tpu.memory_space<vmem>>
      %dma_start3A_383 = tpu.memref_squeeze %dma_start3A_382 : memref<1x32x512xf32, #tpu.memory_space<vmem>> -> memref<32x512xf32, #tpu.memory_space<vmem>>
      %dma_start3A_384 = arith.constant 0 : i32
      %dma_start3A_385 = tpu.memref_slice %arg2[%shift_right_logical3A_15, %and3A_16, %mul3A_365, %dma_start3A_384] : memref<8x8x512x512xf32, #tpu.memory_space<hbm>> -> memref<1x1x32x512xf32, #tpu.memory_space<hbm>>
      %dma_start3A_386 = tpu.memref_squeeze %dma_start3A_385 : memref<1x1x32x512xf32, #tpu.memory_space<hbm>> -> memref<32x512xf32, #tpu.memory_space<hbm>>
      %dma_start3A_387 = arith.constant 0 : i32
      %dma_start3A_388 = arith.constant 0 : i32
      %dma_start3A_389 = tpu.memref_slice %arg6[%dma_start3A_379, %dma_start3A_387, %dma_start3A_388] : memref<2x32x512xf32, #tpu.memory_space<vmem>> -> memref<1x32x512xf32, #tpu.memory_space<vmem>>
      %dma_start3A_390 = tpu.memref_squeeze %dma_start3A_389 : memref<1x32x512xf32, #tpu.memory_space<vmem>> -> memref<32x512xf32, #tpu.memory_space<vmem>>
      %dma_start3A_391 = arith.constant 0 : i32
      %dma_start3A_392 = tpu.memref_slice %arg2[%shift_right_logical3A_15, %and3A_16, %mul3A_365, %dma_start3A_391] : memref<8x8x512x512xf32, #tpu.memory_space<hbm>> -> memref<1x1x32x512xf32, #tpu.memory_space<hbm>>
      %dma_start3A_393 = tpu.memref_squeeze %dma_start3A_392 : memref<1x1x32x512xf32, #tpu.memory_space<hbm>> -> memref<32x512xf32, #tpu.memory_space<hbm>>
      tpu.enqueue_dma source(%dma_start3A_393 : memref<32x512xf32, #tpu.memory_space<hbm>>) target(%dma_start3A_390 : memref<32x512xf32, #tpu.memory_space<vmem>>) target_semaphore(%arg14 : memref<!tpu.dma_semaphore, #tpu.memory_space<semaphore_mem>>)
      %dma_start3A_394 = arith.constant 0 : i32
      %dma_start3A_395 = arith.constant 0 : i32
      %dma_start3A_396 = arith.constant 0 : i32
      %dma_start3A_397 = tpu.memref_slice %arg7[%dma_start3A_394, %dma_start3A_395, %dma_start3A_396] : memref<2x32x512xf32, #tpu.memory_space<vmem>> -> memref<1x32x512xf32, #tpu.memory_space<vmem>>
      %dma_start3A_398 = tpu.memref_squeeze %dma_start3A_397 : memref<1x32x512xf32, #tpu.memory_space<vmem>> -> memref<32x512xf32, #tpu.memory_space<vmem>>
      %dma_start3A_399 = arith.constant 0 : i32
      %dma_start3A_400 = tpu.memref_slice %arg2[%shift_right_logical3A_20, %and3A_24, %mul3A_365, %dma_start3A_399] : memref<8x8x512x512xf32, #tpu.memory_space<hbm>> -> memref<1x1x32x512xf32, #tpu.memory_space<hbm>>
      %dma_start3A_401 = tpu.memref_squeeze %dma_start3A_400 : memref<1x1x32x512xf32, #tpu.memory_space<hbm>> -> memref<32x512xf32, #tpu.memory_space<hbm>>
      %dma_start3A_402 = arith.constant 0 : i32
      %dma_start3A_403 = arith.constant 0 : i32
      %dma_start3A_404 = tpu.memref_slice %arg7[%dma_start3A_394, %dma_start3A_402, %dma_start3A_403] : memref<2x32x512xf32, #tpu.memory_space<vmem>> -> memref<1x32x512xf32, #tpu.memory_space<vmem>>
      %dma_start3A_405 = tpu.memref_squeeze %dma_start3A_404 : memref<1x32x512xf32, #tpu.memory_space<vmem>> -> memref<32x512xf32, #tpu.memory_space<vmem>>
      %dma_start3A_406 = arith.constant 0 : i32
      %dma_start3A_407 = tpu.memref_slice %arg2[%shift_right_logical3A_20, %and3A_24, %mul3A_365, %dma_start3A_406] : memref<8x8x512x512xf32, #tpu.memory_space<hbm>> -> memref<1x1x32x512xf32, #tpu.memory_space<hbm>>
      %dma_start3A_408 = tpu.memref_squeeze %dma_start3A_407 : memref<1x1x32x512xf32, #tpu.memory_space<hbm>> -> memref<32x512xf32, #tpu.memory_space<hbm>>
      tpu.enqueue_dma source(%dma_start3A_408 : memref<32x512xf32, #tpu.memory_space<hbm>>) target(%dma_start3A_405 : memref<32x512xf32, #tpu.memory_space<vmem>>) target_semaphore(%arg14 : memref<!tpu.dma_semaphore, #tpu.memory_space<semaphore_mem>>)
      %add3A_409 = arith.constant 1 : i32
      %add3A_410 = arith.addi %mul3A_313, %add3A_409 : i32
      %mul3A_411 = arith.constant 32 : i32
      %mul3A_412 = arith.muli %add3A_410, %mul3A_411 : i32
      %dma_wait3A_413 = arith.constant 1 : i32
      %dma_wait3A_414 = arith.constant 0 : i32
      %dma_wait3A_415 = arith.constant 0 : i32
      %dma_wait3A_416 = tpu.memref_slice %arg5[%dma_wait3A_413, %dma_wait3A_414, %dma_wait3A_415] : memref<2x32x512xi32, #tpu.memory_space<vmem>> -> memref<1x32x512xi32, #tpu.memory_space<vmem>>
      %dma_wait3A_417 = tpu.memref_squeeze %dma_wait3A_416 : memref<1x32x512xi32, #tpu.memory_space<vmem>> -> memref<32x512xi32, #tpu.memory_space<vmem>>
      %dma_wait3A_418 = arith.constant 0 : i32
      %dma_wait3A_419 = tpu.memref_slice %arg3[%mul3A_412, %dma_wait3A_418] : memref<512x512xi32, #tpu.memory_space<hbm>> -> memref<32x512xi32, #tpu.memory_space<hbm>>
      %dma_wait3A_420 = arith.constant 0 : i32
      %dma_wait3A_421 = arith.constant 0 : i32
      %dma_wait3A_422 = tpu.memref_slice %arg5[%dma_wait3A_413, %dma_wait3A_420, %dma_wait3A_421] : memref<2x32x512xi32, #tpu.memory_space<vmem>> -> memref<1x32x512xi32, #tpu.memory_space<vmem>>
      %dma_wait3A_423 = tpu.memref_squeeze %dma_wait3A_422 : memref<1x32x512xi32, #tpu.memory_space<vmem>> -> memref<32x512xi32, #tpu.memory_space<vmem>>
      %dma_wait3A_424 = arith.constant 0 : i32
      %dma_wait3A_425 = tpu.memref_slice %arg3[%mul3A_412, %dma_wait3A_424] : memref<512x512xi32, #tpu.memory_space<hbm>> -> memref<32x512xi32, #tpu.memory_space<hbm>>
      tpu.wait_dma2 semaphore(%arg15 : memref<!tpu.dma_semaphore, #tpu.memory_space<semaphore_mem>>) src(%dma_wait3A_425 : memref<32x512xi32, #tpu.memory_space<hbm>>) dst(%dma_wait3A_423 : memref<32x512xi32, #tpu.memory_space<vmem>>)
      %dma_wait3A_426 = arith.constant 1 : i32
      %dma_wait3A_427 = arith.constant 0 : i32
      %dma_wait3A_428 = arith.constant 0 : i32
      %dma_wait3A_429 = tpu.memref_slice %arg6[%dma_wait3A_426, %dma_wait3A_427, %dma_wait3A_428] : memref<2x32x512xf32, #tpu.memory_space<vmem>> -> memref<1x32x512xf32, #tpu.memory_space<vmem>>
      %dma_wait3A_430 = tpu.memref_squeeze %dma_wait3A_429 : memref<1x32x512xf32, #tpu.memory_space<vmem>> -> memref<32x512xf32, #tpu.memory_space<vmem>>
      %dma_wait3A_431 = arith.constant 0 : i32
      %dma_wait3A_432 = tpu.memref_slice %arg2[%shift_right_logical3A_15, %and3A_16, %mul3A_412, %dma_wait3A_431] : memref<8x8x512x512xf32, #tpu.memory_space<hbm>> -> memref<1x1x32x512xf32, #tpu.memory_space<hbm>>
      %dma_wait3A_433 = tpu.memref_squeeze %dma_wait3A_432 : memref<1x1x32x512xf32, #tpu.memory_space<hbm>> -> memref<32x512xf32, #tpu.memory_space<hbm>>
      %dma_wait3A_434 = arith.constant 0 : i32
      %dma_wait3A_435 = arith.constant 0 : i32
      %dma_wait3A_436 = tpu.memref_slice %arg6[%dma_wait3A_426, %dma_wait3A_434, %dma_wait3A_435] : memref<2x32x512xf32, #tpu.memory_space<vmem>> -> memref<1x32x512xf32, #tpu.memory_space<vmem>>
      %dma_wait3A_437 = tpu.memref_squeeze %dma_wait3A_436 : memref<1x32x512xf32, #tpu.memory_space<vmem>> -> memref<32x512xf32, #tpu.memory_space<vmem>>
      %dma_wait3A_438 = arith.constant 0 : i32
      %dma_wait3A_439 = tpu.memref_slice %arg2[%shift_right_logical3A_15, %and3A_16, %mul3A_412, %dma_wait3A_438] : memref<8x8x512x512xf32, #tpu.memory_space<hbm>> -> memref<1x1x32x512xf32, #tpu.memory_space<hbm>>
      %dma_wait3A_440 = tpu.memref_squeeze %dma_wait3A_439 : memref<1x1x32x512xf32, #tpu.memory_space<hbm>> -> memref<32x512xf32, #tpu.memory_space<hbm>>
      tpu.wait_dma2 semaphore(%arg15 : memref<!tpu.dma_semaphore, #tpu.memory_space<semaphore_mem>>) src(%dma_wait3A_440 : memref<32x512xf32, #tpu.memory_space<hbm>>) dst(%dma_wait3A_437 : memref<32x512xf32, #tpu.memory_space<vmem>>)
      %dma_wait3A_441 = arith.constant 1 : i32
      %dma_wait3A_442 = arith.constant 0 : i32
      %dma_wait3A_443 = arith.constant 0 : i32
      %dma_wait3A_444 = tpu.memref_slice %arg7[%dma_wait3A_441, %dma_wait3A_442, %dma_wait3A_443] : memref<2x32x512xf32, #tpu.memory_space<vmem>> -> memref<1x32x512xf32, #tpu.memory_space<vmem>>
      %dma_wait3A_445 = tpu.memref_squeeze %dma_wait3A_444 : memref<1x32x512xf32, #tpu.memory_space<vmem>> -> memref<32x512xf32, #tpu.memory_space<vmem>>
      %dma_wait3A_446 = arith.constant 0 : i32
      %dma_wait3A_447 = tpu.memref_slice %arg2[%shift_right_logical3A_20, %and3A_24, %mul3A_412, %dma_wait3A_446] : memref<8x8x512x512xf32, #tpu.memory_space<hbm>> -> memref<1x1x32x512xf32, #tpu.memory_space<hbm>>
      %dma_wait3A_448 = tpu.memref_squeeze %dma_wait3A_447 : memref<1x1x32x512xf32, #tpu.memory_space<hbm>> -> memref<32x512xf32, #tpu.memory_space<hbm>>
      %dma_wait3A_449 = arith.constant 0 : i32
      %dma_wait3A_450 = arith.constant 0 : i32
      %dma_wait3A_451 = tpu.memref_slice %arg7[%dma_wait3A_441, %dma_wait3A_449, %dma_wait3A_450] : memref<2x32x512xf32, #tpu.memory_space<vmem>> -> memref<1x32x512xf32, #tpu.memory_space<vmem>>
      %dma_wait3A_452 = tpu.memref_squeeze %dma_wait3A_451 : memref<1x32x512xf32, #tpu.memory_space<vmem>> -> memref<32x512xf32, #tpu.memory_space<vmem>>
      %dma_wait3A_453 = arith.constant 0 : i32
      %dma_wait3A_454 = tpu.memref_slice %arg2[%shift_right_logical3A_20, %and3A_24, %mul3A_412, %dma_wait3A_453] : memref<8x8x512x512xf32, #tpu.memory_space<hbm>> -> memref<1x1x32x512xf32, #tpu.memory_space<hbm>>
      %dma_wait3A_455 = tpu.memref_squeeze %dma_wait3A_454 : memref<1x1x32x512xf32, #tpu.memory_space<hbm>> -> memref<32x512xf32, #tpu.memory_space<hbm>>
      tpu.wait_dma2 semaphore(%arg15 : memref<!tpu.dma_semaphore, #tpu.memory_space<semaphore_mem>>) src(%dma_wait3A_455 : memref<32x512xf32, #tpu.memory_space<hbm>>) dst(%dma_wait3A_452 : memref<32x512xf32, #tpu.memory_space<vmem>>)
      %parallel_loop3A_456 = arith.constant 0 : i32
      %parallel_loop3A_457 = arith.constant 1024 : i32
      %parallel_loop3A_458 = arith.constant 1 : i32
      scf.for %parallel_loop3A_506 = %parallel_loop3A_456 to %parallel_loop3A_457 step %parallel_loop3A_458  : i32 {
        %parallel_loop3A_507 = arith.constant 5 : i32
        %parallel_loop3A_508 = arith.shrui %parallel_loop3A_506, %parallel_loop3A_507 : i32
        %parallel_loop3A_509 = arith.constant 31 : i32
        %parallel_loop3A_510 = arith.andi %parallel_loop3A_506, %parallel_loop3A_509 : i32
        %parallel_loop3A_511 = arith.constant 4 : i32
        %parallel_loop3A_512 = arith.shli %parallel_loop3A_510, %parallel_loop3A_511 : i32
        %parallel_loop3A_513 = arith.constant 1 : i32
        %parallel_loop3A_514 = arith.index_cast %parallel_loop3A_513 : i32 to index
        %parallel_loop3A_515 = arith.index_cast %parallel_loop3A_508 : i32 to index
        %parallel_loop3A_516 = arith.index_cast %parallel_loop3A_512 : i32 to index
        %parallel_loop3A_517 = tpu.vector_load %arg5[%parallel_loop3A_514, %parallel_loop3A_515, %parallel_loop3A_516] {strides = array<i32>} : memref<2x32x512xi32, #tpu.memory_space<vmem>>, vector<16xi32>,
        %parallel_loop3A_518 = arith.constant 1 : i32
        %parallel_loop3A_519 = arith.index_cast %parallel_loop3A_518 : i32 to index
        %parallel_loop3A_520 = arith.index_cast %parallel_loop3A_508 : i32 to index
        %parallel_loop3A_521 = arith.index_cast %parallel_loop3A_512 : i32 to index
        %parallel_loop3A_522 = tpu.vector_load %arg6[%parallel_loop3A_519, %parallel_loop3A_520, %parallel_loop3A_521] {strides = array<i32>} : memref<2x32x512xf32, #tpu.memory_space<vmem>>, vector<16xf32>,
        tpu.vector_store_idx %arg8[%parallel_loop3A_517], %parallel_loop3A_522 {add = true} : memref<4096xf32, #tpu.memory_space<vmem>>[vector<16xi32>], vector<16xf32>,
        %parallel_loop3A_523 = arith.constant 1 : i32
        %parallel_loop3A_524 = arith.index_cast %parallel_loop3A_523 : i32 to index
        %parallel_loop3A_525 = arith.index_cast %parallel_loop3A_508 : i32 to index
        %parallel_loop3A_526 = arith.index_cast %parallel_loop3A_512 : i32 to index
        %parallel_loop3A_527 = tpu.vector_load %arg7[%parallel_loop3A_524, %parallel_loop3A_525, %parallel_loop3A_526] {strides = array<i32>} : memref<2x32x512xf32, #tpu.memory_space<vmem>>, vector<16xf32>,
        tpu.vector_store_idx %arg9[%parallel_loop3A_517], %parallel_loop3A_527 {add = true} : memref<4096xf32, #tpu.memory_space<vmem>>[vector<16xi32>], vector<16xf32>,
      } {sc.loop_unroll_factor = 8 : i64, sc.parallel_access}
      %add3A_459 = arith.constant 3 : i32
      %add3A_460 = arith.addi %mul3A_313, %add3A_459 : i32
      %mul3A_461 = arith.constant 32 : i32
      %mul3A_462 = arith.muli %add3A_460, %mul3A_461 : i32
      %dma_start3A_463 = arith.constant 1 : i32
      %dma_start3A_464 = arith.constant 0 : i32
      %dma_start3A_465 = arith.constant 0 : i32
      %dma_start3A_466 = tpu.memref_slice %arg5[%dma_start3A_463, %dma_start3A_464, %dma_start3A_465] : memref<2x32x512xi32, #tpu.memory_space<vmem>> -> memref<1x32x512xi32, #tpu.memory_space<vmem>>
      %dma_start3A_467 = tpu.memref_squeeze %dma_start3A_466 : memref<1x32x512xi32, #tpu.memory_space<vmem>> -> memref<32x512xi32, #tpu.memory_space<vmem>>
      %dma_start3A_468 = arith.constant 0 : i32
      %dma_start3A_469 = tpu.memref_slice %arg3[%mul3A_462, %dma_start3A_468] : memref<512x512xi32, #tpu.memory_space<hbm>> -> memref<32x512xi32, #tpu.memory_space<hbm>>
      %dma_start3A_470 = arith.constant 0 : i32
      %dma_start3A_471 = arith.constant 0 : i32
      %dma_start3A_472 = tpu.memref_slice %arg5[%dma_start3A_463, %dma_start3A_470, %dma_start3A_471] : memref<2x32x512xi32, #tpu.memory_space<vmem>> -> memref<1x32x512xi32, #tpu.memory_space<vmem>>
      %dma_start3A_473 = tpu.memref_squeeze %dma_start3A_472 : memref<1x32x512xi32, #tpu.memory_space<vmem>> -> memref<32x512xi32, #tpu.memory_space<vmem>>
      %dma_start3A_474 = arith.constant 0 : i32
      %dma_start3A_475 = tpu.memref_slice %arg3[%mul3A_462, %dma_start3A_474] : memref<512x512xi32, #tpu.memory_space<hbm>> -> memref<32x512xi32, #tpu.memory_space<hbm>>
      tpu.enqueue_dma source(%dma_start3A_475 : memref<32x512xi32, #tpu.memory_space<hbm>>) target(%dma_start3A_473 : memref<32x512xi32, #tpu.memory_space<vmem>>) target_semaphore(%arg15 : memref<!tpu.dma_semaphore, #tpu.memory_space<semaphore_mem>>)
      %dma_start3A_476 = arith.constant 1 : i32
      %dma_start3A_477 = arith.constant 0 : i32
      %dma_start3A_478 = arith.constant 0 : i32
      %dma_start3A_479 = tpu.memref_slice %arg6[%dma_start3A_476, %dma_start3A_477, %dma_start3A_478] : memref<2x32x512xf32, #tpu.memory_space<vmem>> -> memref<1x32x512xf32, #tpu.memory_space<vmem>>
      %dma_start3A_480 = tpu.memref_squeeze %dma_start3A_479 : memref<1x32x512xf32, #tpu.memory_space<vmem>> -> memref<32x512xf32, #tpu.memory_space<vmem>>
      %dma_start3A_481 = arith.constant 0 : i32
      %dma_start3A_482 = tpu.memref_slice %arg2[%shift_right_logical3A_15, %and3A_16, %mul3A_462, %dma_start3A_481] : memref<8x8x512x512xf32, #tpu.memory_space<hbm>> -> memref<1x1x32x512xf32, #tpu.memory_space<hbm>>
      %dma_start3A_483 = tpu.memref_squeeze %dma_start3A_482 : memref<1x1x32x512xf32, #tpu.memory_space<hbm>> -> memref<32x512xf32, #tpu.memory_space<hbm>>
      %dma_start3A_484 = arith.constant 0 : i32
      %dma_start3A_485 = arith.constant 0 : i32
      %dma_start3A_486 = tpu.memref_slice %arg6[%dma_start3A_476, %dma_start3A_484, %dma_start3A_485] : memref<2x32x512xf32, #tpu.memory_space<vmem>> -> memref<1x32x512xf32, #tpu.memory_space<vmem>>
      %dma_start3A_487 = tpu.memref_squeeze %dma_start3A_486 : memref<1x32x512xf32, #tpu.memory_space<vmem>> -> memref<32x512xf32, #tpu.memory_space<vmem>>
      %dma_start3A_488 = arith.constant 0 : i32
      %dma_start3A_489 = tpu.memref_slice %arg2[%shift_right_logical3A_15, %and3A_16, %mul3A_462, %dma_start3A_488] : memref<8x8x512x512xf32, #tpu.memory_space<hbm>> -> memref<1x1x32x512xf32, #tpu.memory_space<hbm>>
      %dma_start3A_490 = tpu.memref_squeeze %dma_start3A_489 : memref<1x1x32x512xf32, #tpu.memory_space<hbm>> -> memref<32x512xf32, #tpu.memory_space<hbm>>
      tpu.enqueue_dma source(%dma_start3A_490 : memref<32x512xf32, #tpu.memory_space<hbm>>) target(%dma_start3A_487 : memref<32x512xf32, #tpu.memory_space<vmem>>) target_semaphore(%arg15 : memref<!tpu.dma_semaphore, #tpu.memory_space<semaphore_mem>>)
      %dma_start3A_491 = arith.constant 1 : i32
      %dma_start3A_492 = arith.constant 0 : i32
      %dma_start3A_493 = arith.constant 0 : i32
      %dma_start3A_494 = tpu.memref_slice %arg7[%dma_start3A_491, %dma_start3A_492, %dma_start3A_493] : memref<2x32x512xf32, #tpu.memory_space<vmem>> -> memref<1x32x512xf32, #tpu.memory_space<vmem>>
      %dma_start3A_495 = tpu.memref_squeeze %dma_start3A_494 : memref<1x32x512xf32, #tpu.memory_space<vmem>> -> memref<32x512xf32, #tpu.memory_space<vmem>>
      %dma_start3A_496 = arith.constant 0 : i32
      %dma_start3A_497 = tpu.memref_slice %arg2[%shift_right_logical3A_20, %and3A_24, %mul3A_462, %dma_start3A_496] : memref<8x8x512x512xf32, #tpu.memory_space<hbm>> -> memref<1x1x32x512xf32, #tpu.memory_space<hbm>>
      %dma_start3A_498 = tpu.memref_squeeze %dma_start3A_497 : memref<1x1x32x512xf32, #tpu.memory_space<hbm>> -> memref<32x512xf32, #tpu.memory_space<hbm>>
      %dma_start3A_499 = arith.constant 0 : i32
      %dma_start3A_500 = arith.constant 0 : i32
      %dma_start3A_501 = tpu.memref_slice %arg7[%dma_start3A_491, %dma_start3A_499, %dma_start3A_500] : memref<2x32x512xf32, #tpu.memory_space<vmem>> -> memref<1x32x512xf32, #tpu.memory_space<vmem>>
      %dma_start3A_502 = tpu.memref_squeeze %dma_start3A_501 : memref<1x32x512xf32, #tpu.memory_space<vmem>> -> memref<32x512xf32, #tpu.memory_space<vmem>>
      %dma_start3A_503 = arith.constant 0 : i32
      %dma_start3A_504 = tpu.memref_slice %arg2[%shift_right_logical3A_20, %and3A_24, %mul3A_462, %dma_start3A_503] : memref<8x8x512x512xf32, #tpu.memory_space<hbm>> -> memref<1x1x32x512xf32, #tpu.memory_space<hbm>>
      %dma_start3A_505 = tpu.memref_squeeze %dma_start3A_504 : memref<1x1x32x512xf32, #tpu.memory_space<hbm>> -> memref<32x512xf32, #tpu.memory_space<hbm>>
      tpu.enqueue_dma source(%dma_start3A_505 : memref<32x512xf32, #tpu.memory_space<hbm>>) target(%dma_start3A_502 : memref<32x512xf32, #tpu.memory_space<vmem>>) target_semaphore(%arg15 : memref<!tpu.dma_semaphore, #tpu.memory_space<semaphore_mem>>)
    }
    %scan3A_126 = arith.constant 7 : i32
    %dma_wait3A = arith.constant 0 : i32
    %dma_wait3A_127 = arith.constant 0 : i32
    %dma_wait3A_128 = arith.constant 0 : i32
    %dma_wait3A_129 = tpu.memref_slice %arg5[%dma_wait3A, %dma_wait3A_127, %dma_wait3A_128] : memref<2x32x512xi32, #tpu.memory_space<vmem>> -> memref<1x32x512xi32, #tpu.memory_space<vmem>>
    %dma_wait3A_130 = tpu.memref_squeeze %dma_wait3A_129 : memref<1x32x512xi32, #tpu.memory_space<vmem>> -> memref<32x512xi32, #tpu.memory_space<vmem>>
    %dma_wait3A_131 = arith.constant 448 : i32
    %dma_wait3A_132 = arith.constant 0 : i32
    %dma_wait3A_133 = tpu.memref_slice %arg3[%dma_wait3A_131, %dma_wait3A_132] : memref<512x512xi32, #tpu.memory_space<hbm>> -> memref<32x512xi32, #tpu.memory_space<hbm>>
    %dma_wait3A_134 = arith.constant 0 : i32
    %dma_wait3A_135 = arith.constant 0 : i32
    %dma_wait3A_136 = tpu.memref_slice %arg5[%dma_wait3A, %dma_wait3A_134, %dma_wait3A_135] : memref<2x32x512xi32, #tpu.memory_space<vmem>> -> memref<1x32x512xi32, #tpu.memory_space<vmem>>
    %dma_wait3A_137 = tpu.memref_squeeze %dma_wait3A_136 : memref<1x32x512xi32, #tpu.memory_space<vmem>> -> memref<32x512xi32, #tpu.memory_space<vmem>>
    %dma_wait3A_138 = arith.constant 448 : i32
    %dma_wait3A_139 = arith.constant 0 : i32
    %dma_wait3A_140 = tpu.memref_slice %arg3[%dma_wait3A_138, %dma_wait3A_139] : memref<512x512xi32, #tpu.memory_space<hbm>> -> memref<32x512xi32, #tpu.memory_space<hbm>>
    tpu.wait_dma2 semaphore(%arg14 : memref<!tpu.dma_semaphore, #tpu.memory_space<semaphore_mem>>) src(%dma_wait3A_140 : memref<32x512xi32, #tpu.memory_space<hbm>>) dst(%dma_wait3A_137 : memref<32x512xi32, #tpu.memory_space<vmem>>)
    %dma_wait3A_141 = arith.constant 0 : i32
    %dma_wait3A_142 = arith.constant 0 : i32
    %dma_wait3A_143 = arith.constant 0 : i32
    %dma_wait3A_144 = tpu.memref_slice %arg6[%dma_wait3A_141, %dma_wait3A_142, %dma_wait3A_143] : memref<2x32x512xf32, #tpu.memory_space<vmem>> -> memref<1x32x512xf32, #tpu.memory_space<vmem>>
    %dma_wait3A_145 = tpu.memref_squeeze %dma_wait3A_144 : memref<1x32x512xf32, #tpu.memory_space<vmem>> -> memref<32x512xf32, #tpu.memory_space<vmem>>
    %dma_wait3A_146 = arith.constant 448 : i32
    %dma_wait3A_147 = arith.constant 0 : i32
    %dma_wait3A_148 = tpu.memref_slice %arg2[%shift_right_logical3A_15, %and3A_16, %dma_wait3A_146, %dma_wait3A_147] : memref<8x8x512x512xf32, #tpu.memory_space<hbm>> -> memref<1x1x32x512xf32, #tpu.memory_space<hbm>>
    %dma_wait3A_149 = tpu.memref_squeeze %dma_wait3A_148 : memref<1x1x32x512xf32, #tpu.memory_space<hbm>> -> memref<32x512xf32, #tpu.memory_space<hbm>>
    %dma_wait3A_150 = arith.constant 0 : i32
    %dma_wait3A_151 = arith.constant 0 : i32
    %dma_wait3A_152 = tpu.memref_slice %arg6[%dma_wait3A_141, %dma_wait3A_150, %dma_wait3A_151] : memref<2x32x512xf32, #tpu.memory_space<vmem>> -> memref<1x32x512xf32, #tpu.memory_space<vmem>>
    %dma_wait3A_153 = tpu.memref_squeeze %dma_wait3A_152 : memref<1x32x512xf32, #tpu.memory_space<vmem>> -> memref<32x512xf32, #tpu.memory_space<vmem>>
    %dma_wait3A_154 = arith.constant 448 : i32
    %dma_wait3A_155 = arith.constant 0 : i32
    %dma_wait3A_156 = tpu.memref_slice %arg2[%shift_right_logical3A_15, %and3A_16, %dma_wait3A_154, %dma_wait3A_155] : memref<8x8x512x512xf32, #tpu.memory_space<hbm>> -> memref<1x1x32x512xf32, #tpu.memory_space<hbm>>
    %dma_wait3A_157 = tpu.memref_squeeze %dma_wait3A_156 : memref<1x1x32x512xf32, #tpu.memory_space<hbm>> -> memref<32x512xf32, #tpu.memory_space<hbm>>
    tpu.wait_dma2 semaphore(%arg14 : memref<!tpu.dma_semaphore, #tpu.memory_space<semaphore_mem>>) src(%dma_wait3A_157 : memref<32x512xf32, #tpu.memory_space<hbm>>) dst(%dma_wait3A_153 : memref<32x512xf32, #tpu.memory_space<vmem>>)
    %dma_wait3A_158 = arith.constant 0 : i32
    %dma_wait3A_159 = arith.constant 0 : i32
    %dma_wait3A_160 = arith.constant 0 : i32
    %dma_wait3A_161 = tpu.memref_slice %arg7[%dma_wait3A_158, %dma_wait3A_159, %dma_wait3A_160] : memref<2x32x512xf32, #tpu.memory_space<vmem>> -> memref<1x32x512xf32, #tpu.memory_space<vmem>>
    %dma_wait3A_162 = tpu.memref_squeeze %dma_wait3A_161 : memref<1x32x512xf32, #tpu.memory_space<vmem>> -> memref<32x512xf32, #tpu.memory_space<vmem>>
    %dma_wait3A_163 = arith.constant 448 : i32
    %dma_wait3A_164 = arith.constant 0 : i32
    %dma_wait3A_165 = tpu.memref_slice %arg2[%shift_right_logical3A_20, %and3A_24, %dma_wait3A_163, %dma_wait3A_164] : memref<8x8x512x512xf32, #tpu.memory_space<hbm>> -> memref<1x1x32x512xf32, #tpu.memory_space<hbm>>
    %dma_wait3A_166 = tpu.memref_squeeze %dma_wait3A_165 : memref<1x1x32x512xf32, #tpu.memory_space<hbm>> -> memref<32x512xf32, #tpu.memory_space<hbm>>
    %dma_wait3A_167 = arith.constant 0 : i32
    %dma_wait3A_168 = arith.constant 0 : i32
    %dma_wait3A_169 = tpu.memref_slice %arg7[%dma_wait3A_158, %dma_wait3A_167, %dma_wait3A_168] : memref<2x32x512xf32, #tpu.memory_space<vmem>> -> memref<1x32x512xf32, #tpu.memory_space<vmem>>
    %dma_wait3A_170 = tpu.memref_squeeze %dma_wait3A_169 : memref<1x32x512xf32, #tpu.memory_space<vmem>> -> memref<32x512xf32, #tpu.memory_space<vmem>>
    %dma_wait3A_171 = arith.constant 448 : i32
    %dma_wait3A_172 = arith.constant 0 : i32
    %dma_wait3A_173 = tpu.memref_slice %arg2[%shift_right_logical3A_20, %and3A_24, %dma_wait3A_171, %dma_wait3A_172] : memref<8x8x512x512xf32, #tpu.memory_space<hbm>> -> memref<1x1x32x512xf32, #tpu.memory_space<hbm>>
    %dma_wait3A_174 = tpu.memref_squeeze %dma_wait3A_173 : memref<1x1x32x512xf32, #tpu.memory_space<hbm>> -> memref<32x512xf32, #tpu.memory_space<hbm>>
    tpu.wait_dma2 semaphore(%arg14 : memref<!tpu.dma_semaphore, #tpu.memory_space<semaphore_mem>>) src(%dma_wait3A_174 : memref<32x512xf32, #tpu.memory_space<hbm>>) dst(%dma_wait3A_170 : memref<32x512xf32, #tpu.memory_space<vmem>>)
    %parallel_loop3A_175 = arith.constant 0 : i32
    %parallel_loop3A_176 = arith.constant 1024 : i32
    %parallel_loop3A_177 = arith.constant 1 : i32
    scf.for %parallel_loop3A_311 = %parallel_loop3A_175 to %parallel_loop3A_176 step %parallel_loop3A_177  : i32 {
      %parallel_loop3A_312 = arith.constant 5 : i32
      %parallel_loop3A_313 = arith.shrui %parallel_loop3A_311, %parallel_loop3A_312 : i32
      %parallel_loop3A_314 = arith.constant 31 : i32
      %parallel_loop3A_315 = arith.andi %parallel_loop3A_311, %parallel_loop3A_314 : i32
      %parallel_loop3A_316 = arith.constant 4 : i32
      %parallel_loop3A_317 = arith.shli %parallel_loop3A_315, %parallel_loop3A_316 : i32
      %parallel_loop3A_318 = arith.constant 0 : i32
      %parallel_loop3A_319 = arith.index_cast %parallel_loop3A_318 : i32 to index
      %parallel_loop3A_320 = arith.index_cast %parallel_loop3A_313 : i32 to index
      %parallel_loop3A_321 = arith.index_cast %parallel_loop3A_317 : i32 to index
      %parallel_loop3A_322 = tpu.vector_load %arg5[%parallel_loop3A_319, %parallel_loop3A_320, %parallel_loop3A_321] {strides = array<i32>} : memref<2x32x512xi32, #tpu.memory_space<vmem>>, vector<16xi32>,
      %parallel_loop3A_323 = arith.constant 0 : i32
      %parallel_loop3A_324 = arith.index_cast %parallel_loop3A_323 : i32 to index
      %parallel_loop3A_325 = arith.index_cast %parallel_loop3A_313 : i32 to index
      %parallel_loop3A_326 = arith.index_cast %parallel_loop3A_317 : i32 to index
      %parallel_loop3A_327 = tpu.vector_load %arg6[%parallel_loop3A_324, %parallel_loop3A_325, %parallel_loop3A_326] {strides = array<i32>} : memref<2x32x512xf32, #tpu.memory_space<vmem>>, vector<16xf32>,
      tpu.vector_store_idx %arg8[%parallel_loop3A_322], %parallel_loop3A_327 {add = true} : memref<4096xf32, #tpu.memory_space<vmem>>[vector<16xi32>], vector<16xf32>,
      %parallel_loop3A_328 = arith.constant 0 : i32
      %parallel_loop3A_329 = arith.index_cast %parallel_loop3A_328 : i32 to index
      %parallel_loop3A_330 = arith.index_cast %parallel_loop3A_313 : i32 to index
      %parallel_loop3A_331 = arith.index_cast %parallel_loop3A_317 : i32 to index
      %parallel_loop3A_332 = tpu.vector_load %arg7[%parallel_loop3A_329, %parallel_loop3A_330, %parallel_loop3A_331] {strides = array<i32>} : memref<2x32x512xf32, #tpu.memory_space<vmem>>, vector<16xf32>,
      tpu.vector_store_idx %arg9[%parallel_loop3A_322], %parallel_loop3A_332 {add = true} : memref<4096xf32, #tpu.memory_space<vmem>>[vector<16xi32>], vector<16xf32>,
    } {sc.loop_unroll_factor = 8 : i64, sc.parallel_access}
    %dma_wait3A_178 = arith.constant 1 : i32
    %dma_wait3A_179 = arith.constant 0 : i32
    %dma_wait3A_180 = arith.constant 0 : i32
    %dma_wait3A_181 = tpu.memref_slice %arg5[%dma_wait3A_178, %dma_wait3A_179, %dma_wait3A_180] : memref<2x32x512xi32, #tpu.memory_space<vmem>> -> memref<1x32x512xi32, #tpu.memory_space<vmem>>
    %dma_wait3A_182 = tpu.memref_squeeze %dma_wait3A_181 : memref<1x32x512xi32, #tpu.memory_space<vmem>> -> memref<32x512xi32, #tpu.memory_space<vmem>>
    %dma_wait3A_183 = arith.constant 480 : i32
    %dma_wait3A_184 = arith.constant 0 : i32
    %dma_wait3A_185 = tpu.memref_slice %arg3[%dma_wait3A_183, %dma_wait3A_184] : memref<512x512xi32, #tpu.memory_space<hbm>> -> memref<32x512xi32, #tpu.memory_space<hbm>>
    %dma_wait3A_186 = arith.constant 0 : i32
    %dma_wait3A_187 = arith.constant 0 : i32
    %dma_wait3A_188 = tpu.memref_slice %arg5[%dma_wait3A_178, %dma_wait3A_186, %dma_wait3A_187] : memref<2x32x512xi32, #tpu.memory_space<vmem>> -> memref<1x32x512xi32, #tpu.memory_space<vmem>>
    %dma_wait3A_189 = tpu.memref_squeeze %dma_wait3A_188 : memref<1x32x512xi32, #tpu.memory_space<vmem>> -> memref<32x512xi32, #tpu.memory_space<vmem>>
    %dma_wait3A_190 = arith.constant 480 : i32
    %dma_wait3A_191 = arith.constant 0 : i32
    %dma_wait3A_192 = tpu.memref_slice %arg3[%dma_wait3A_190, %dma_wait3A_191] : memref<512x512xi32, #tpu.memory_space<hbm>> -> memref<32x512xi32, #tpu.memory_space<hbm>>
    tpu.wait_dma2 semaphore(%arg15 : memref<!tpu.dma_semaphore, #tpu.memory_space<semaphore_mem>>) src(%dma_wait3A_192 : memref<32x512xi32, #tpu.memory_space<hbm>>) dst(%dma_wait3A_189 : memref<32x512xi32, #tpu.memory_space<vmem>>)
    %dma_wait3A_193 = arith.constant 1 : i32
    %dma_wait3A_194 = arith.constant 0 : i32
    %dma_wait3A_195 = arith.constant 0 : i32
    %dma_wait3A_196 = tpu.memref_slice %arg6[%dma_wait3A_193, %dma_wait3A_194, %dma_wait3A_195] : memref<2x32x512xf32, #tpu.memory_space<vmem>> -> memref<1x32x512xf32, #tpu.memory_space<vmem>>
    %dma_wait3A_197 = tpu.memref_squeeze %dma_wait3A_196 : memref<1x32x512xf32, #tpu.memory_space<vmem>> -> memref<32x512xf32, #tpu.memory_space<vmem>>
    %dma_wait3A_198 = arith.constant 480 : i32
    %dma_wait3A_199 = arith.constant 0 : i32
    %dma_wait3A_200 = tpu.memref_slice %arg2[%shift_right_logical3A_15, %and3A_16, %dma_wait3A_198, %dma_wait3A_199] : memref<8x8x512x512xf32, #tpu.memory_space<hbm>> -> memref<1x1x32x512xf32, #tpu.memory_space<hbm>>
    %dma_wait3A_201 = tpu.memref_squeeze %dma_wait3A_200 : memref<1x1x32x512xf32, #tpu.memory_space<hbm>> -> memref<32x512xf32, #tpu.memory_space<hbm>>
    %dma_wait3A_202 = arith.constant 0 : i32
    %dma_wait3A_203 = arith.constant 0 : i32
    %dma_wait3A_204 = tpu.memref_slice %arg6[%dma_wait3A_193, %dma_wait3A_202, %dma_wait3A_203] : memref<2x32x512xf32, #tpu.memory_space<vmem>> -> memref<1x32x512xf32, #tpu.memory_space<vmem>>
    %dma_wait3A_205 = tpu.memref_squeeze %dma_wait3A_204 : memref<1x32x512xf32, #tpu.memory_space<vmem>> -> memref<32x512xf32, #tpu.memory_space<vmem>>
    %dma_wait3A_206 = arith.constant 480 : i32
    %dma_wait3A_207 = arith.constant 0 : i32
    %dma_wait3A_208 = tpu.memref_slice %arg2[%shift_right_logical3A_15, %and3A_16, %dma_wait3A_206, %dma_wait3A_207] : memref<8x8x512x512xf32, #tpu.memory_space<hbm>> -> memref<1x1x32x512xf32, #tpu.memory_space<hbm>>
    %dma_wait3A_209 = tpu.memref_squeeze %dma_wait3A_208 : memref<1x1x32x512xf32, #tpu.memory_space<hbm>> -> memref<32x512xf32, #tpu.memory_space<hbm>>
    tpu.wait_dma2 semaphore(%arg15 : memref<!tpu.dma_semaphore, #tpu.memory_space<semaphore_mem>>) src(%dma_wait3A_209 : memref<32x512xf32, #tpu.memory_space<hbm>>) dst(%dma_wait3A_205 : memref<32x512xf32, #tpu.memory_space<vmem>>)
    %dma_wait3A_210 = arith.constant 1 : i32
    %dma_wait3A_211 = arith.constant 0 : i32
    %dma_wait3A_212 = arith.constant 0 : i32
    %dma_wait3A_213 = tpu.memref_slice %arg7[%dma_wait3A_210, %dma_wait3A_211, %dma_wait3A_212] : memref<2x32x512xf32, #tpu.memory_space<vmem>> -> memref<1x32x512xf32, #tpu.memory_space<vmem>>
    %dma_wait3A_214 = tpu.memref_squeeze %dma_wait3A_213 : memref<1x32x512xf32, #tpu.memory_space<vmem>> -> memref<32x512xf32, #tpu.memory_space<vmem>>
    %dma_wait3A_215 = arith.constant 480 : i32
    %dma_wait3A_216 = arith.constant 0 : i32
    %dma_wait3A_217 = tpu.memref_slice %arg2[%shift_right_logical3A_20, %and3A_24, %dma_wait3A_215, %dma_wait3A_216] : memref<8x8x512x512xf32, #tpu.memory_space<hbm>> -> memref<1x1x32x512xf32, #tpu.memory_space<hbm>>
    %dma_wait3A_218 = tpu.memref_squeeze %dma_wait3A_217 : memref<1x1x32x512xf32, #tpu.memory_space<hbm>> -> memref<32x512xf32, #tpu.memory_space<hbm>>
    %dma_wait3A_219 = arith.constant 0 : i32
    %dma_wait3A_220 = arith.constant 0 : i32
    %dma_wait3A_221 = tpu.memref_slice %arg7[%dma_wait3A_210, %dma_wait3A_219, %dma_wait3A_220] : memref<2x32x512xf32, #tpu.memory_space<vmem>> -> memref<1x32x512xf32, #tpu.memory_space<vmem>>
    %dma_wait3A_222 = tpu.memref_squeeze %dma_wait3A_221 : memref<1x32x512xf32, #tpu.memory_space<vmem>> -> memref<32x512xf32, #tpu.memory_space<vmem>>
    %dma_wait3A_223 = arith.constant 480 : i32
    %dma_wait3A_224 = arith.constant 0 : i32
    %dma_wait3A_225 = tpu.memref_slice %arg2[%shift_right_logical3A_20, %and3A_24, %dma_wait3A_223, %dma_wait3A_224] : memref<8x8x512x512xf32, #tpu.memory_space<hbm>> -> memref<1x1x32x512xf32, #tpu.memory_space<hbm>>
    %dma_wait3A_226 = tpu.memref_squeeze %dma_wait3A_225 : memref<1x1x32x512xf32, #tpu.memory_space<hbm>> -> memref<32x512xf32, #tpu.memory_space<hbm>>
    tpu.wait_dma2 semaphore(%arg15 : memref<!tpu.dma_semaphore, #tpu.memory_space<semaphore_mem>>) src(%dma_wait3A_226 : memref<32x512xf32, #tpu.memory_space<hbm>>) dst(%dma_wait3A_222 : memref<32x512xf32, #tpu.memory_space<vmem>>)
    %parallel_loop3A_227 = arith.constant 0 : i32
    %parallel_loop3A_228 = arith.constant 1024 : i32
    %parallel_loop3A_229 = arith.constant 1 : i32
    scf.for %parallel_loop3A_311 = %parallel_loop3A_227 to %parallel_loop3A_228 step %parallel_loop3A_229  : i32 {
      %parallel_loop3A_312 = arith.constant 5 : i32
      %parallel_loop3A_313 = arith.shrui %parallel_loop3A_311, %parallel_loop3A_312 : i32
      %parallel_loop3A_314 = arith.constant 31 : i32
      %parallel_loop3A_315 = arith.andi %parallel_loop3A_311, %parallel_loop3A_314 : i32
      %parallel_loop3A_316 = arith.constant 4 : i32
      %parallel_loop3A_317 = arith.shli %parallel_loop3A_315, %parallel_loop3A_316 : i32
      %parallel_loop3A_318 = arith.constant 1 : i32
      %parallel_loop3A_319 = arith.index_cast %parallel_loop3A_318 : i32 to index
      %parallel_loop3A_320 = arith.index_cast %parallel_loop3A_313 : i32 to index
      %parallel_loop3A_321 = arith.index_cast %parallel_loop3A_317 : i32 to index
      %parallel_loop3A_322 = tpu.vector_load %arg5[%parallel_loop3A_319, %parallel_loop3A_320, %parallel_loop3A_321] {strides = array<i32>} : memref<2x32x512xi32, #tpu.memory_space<vmem>>, vector<16xi32>,
      %parallel_loop3A_323 = arith.constant 1 : i32
      %parallel_loop3A_324 = arith.index_cast %parallel_loop3A_323 : i32 to index
      %parallel_loop3A_325 = arith.index_cast %parallel_loop3A_313 : i32 to index
      %parallel_loop3A_326 = arith.index_cast %parallel_loop3A_317 : i32 to index
      %parallel_loop3A_327 = tpu.vector_load %arg6[%parallel_loop3A_324, %parallel_loop3A_325, %parallel_loop3A_326] {strides = array<i32>} : memref<2x32x512xf32, #tpu.memory_space<vmem>>, vector<16xf32>,
      tpu.vector_store_idx %arg8[%parallel_loop3A_322], %parallel_loop3A_327 {add = true} : memref<4096xf32, #tpu.memory_space<vmem>>[vector<16xi32>], vector<16xf32>,
      %parallel_loop3A_328 = arith.constant 1 : i32
      %parallel_loop3A_329 = arith.index_cast %parallel_loop3A_328 : i32 to index
      %parallel_loop3A_330 = arith.index_cast %parallel_loop3A_313 : i32 to index
      %parallel_loop3A_331 = arith.index_cast %parallel_loop3A_317 : i32 to index
      %parallel_loop3A_332 = tpu.vector_load %arg7[%parallel_loop3A_329, %parallel_loop3A_330, %parallel_loop3A_331] {strides = array<i32>} : memref<2x32x512xf32, #tpu.memory_space<vmem>>, vector<16xf32>,
      tpu.vector_store_idx %arg9[%parallel_loop3A_322], %parallel_loop3A_332 {add = true} : memref<4096xf32, #tpu.memory_space<vmem>>[vector<16xi32>], vector<16xf32>,
    } {sc.loop_unroll_factor = 8 : i64, sc.parallel_access}
    %mul3A_230 = arith.constant 256 : i32
    %mul3A_231 = arith.muli %arg1, %mul3A_230 : i32
    %add3A_232 = arith.constant 0 : i32
    %add3A_233 = arith.addi %add3A_232, %mul3A_231 : i32
    "tpu.region"() ({
      %run_scoped3A_311 = tpu.sem_alloc : memref<!tpu.dma_semaphore, #tpu.memory_space<semaphore_mem>>
      %dma_start3A_312 = arith.constant 0 : i32
      %dma_start3A_313 = tpu.memref_slice %arg11[%dma_start3A_312] : memref<4096xf32, #tpu.memory_space<vmem>> -> memref<256xf32, #tpu.memory_space<vmem>>
      %dma_start3A_314 = tpu.memref_slice %arg12[%add3A_233] : memref<65536xf32, #tpu.memory_space<vmem_shared>> -> memref<256xf32, #tpu.memory_space<vmem_shared>>
      %dma_start3A_315 = arith.constant 0 : i32
      %dma_start3A_316 = tpu.memref_slice %arg11[%dma_start3A_315] : memref<4096xf32, #tpu.memory_space<vmem>> -> memref<256xf32, #tpu.memory_space<vmem>>
      %dma_start3A_317 = tpu.memref_slice %arg12[%add3A_233] : memref<65536xf32, #tpu.memory_space<vmem_shared>> -> memref<256xf32, #tpu.memory_space<vmem_shared>>
      tpu.enqueue_dma source(%dma_start3A_317 : memref<256xf32, #tpu.memory_space<vmem_shared>>) target(%dma_start3A_316 : memref<256xf32, #tpu.memory_space<vmem>>) target_semaphore(%run_scoped3A_311 : memref<!tpu.dma_semaphore, #tpu.memory_space<semaphore_mem>>)
      %dma_wait3A_318 = arith.constant 0 : i32
      %dma_wait3A_319 = tpu.memref_slice %arg11[%dma_wait3A_318] : memref<4096xf32, #tpu.memory_space<vmem>> -> memref<256xf32, #tpu.memory_space<vmem>>
      %dma_wait3A_320 = tpu.memref_slice %arg12[%add3A_233] : memref<65536xf32, #tpu.memory_space<vmem_shared>> -> memref<256xf32, #tpu.memory_space<vmem_shared>>
      %dma_wait3A_321 = arith.constant 0 : i32
      %dma_wait3A_322 = tpu.memref_slice %arg11[%dma_wait3A_321] : memref<4096xf32, #tpu.memory_space<vmem>> -> memref<256xf32, #tpu.memory_space<vmem>>
      %dma_wait3A_323 = tpu.memref_slice %arg12[%add3A_233] : memref<65536xf32, #tpu.memory_space<vmem_shared>> -> memref<256xf32, #tpu.memory_space<vmem_shared>>
      tpu.wait_dma2 semaphore(%run_scoped3A_311 : memref<!tpu.dma_semaphore, #tpu.memory_space<semaphore_mem>>) src(%dma_wait3A_323 : memref<256xf32, #tpu.memory_space<vmem_shared>>) dst(%dma_wait3A_322 : memref<256xf32, #tpu.memory_space<vmem>>)
      tpu.yield
    }) : () -> ()
    %mul3A_234 = arith.constant 256 : i32
    %mul3A_235 = arith.muli %arg1, %mul3A_234 : i32
    %add3A_236 = arith.constant 4096 : i32
    %add3A_237 = arith.addi %add3A_236, %mul3A_235 : i32
    "tpu.region"() ({
      %run_scoped3A_311 = tpu.sem_alloc : memref<!tpu.dma_semaphore, #tpu.memory_space<semaphore_mem>>
      %dma_start3A_312 = arith.constant 256 : i32
      %dma_start3A_313 = tpu.memref_slice %arg11[%dma_start3A_312] : memref<4096xf32, #tpu.memory_space<vmem>> -> memref<256xf32, #tpu.memory_space<vmem>>
      %dma_start3A_314 = tpu.memref_slice %arg12[%add3A_237] : memref<65536xf32, #tpu.memory_space<vmem_shared>> -> memref<256xf32, #tpu.memory_space<vmem_shared>>
      %dma_start3A_315 = arith.constant 256 : i32
      %dma_start3A_316 = tpu.memref_slice %arg11[%dma_start3A_315] : memref<4096xf32, #tpu.memory_space<vmem>> -> memref<256xf32, #tpu.memory_space<vmem>>
      %dma_start3A_317 = tpu.memref_slice %arg12[%add3A_237] : memref<65536xf32, #tpu.memory_space<vmem_shared>> -> memref<256xf32, #tpu.memory_space<vmem_shared>>
      tpu.enqueue_dma source(%dma_start3A_317 : memref<256xf32, #tpu.memory_space<vmem_shared>>) target(%dma_start3A_316 : memref<256xf32, #tpu.memory_space<vmem>>) target_semaphore(%run_scoped3A_311 : memref<!tpu.dma_semaphore, #tpu.memory_space<semaphore_mem>>)
      %dma_wait3A_318 = arith.constant 256 : i32
      %dma_wait3A_319 = tpu.memref_slice %arg11[%dma_wait3A_318] : memref<4096xf32, #tpu.memory_space<vmem>> -> memref<256xf32, #tpu.memory_space<vmem>>
      %dma_wait3A_320 = tpu.memref_slice %arg12[%add3A_237] : memref<65536xf32, #tpu.memory_space<vmem_shared>> -> memref<256xf32, #tpu.memory_space<vmem_shared>>
      %dma_wait3A_321 = arith.constant 256 : i32
      %dma_wait3A_322 = tpu.memref_slice %arg11[%dma_wait3A_321] : memref<4096xf32, #tpu.memory_space<vmem>> -> memref<256xf32, #tpu.memory_space<vmem>>
      %dma_wait3A_323 = tpu.memref_slice %arg12[%add3A_237] : memref<65536xf32, #tpu.memory_space<vmem_shared>> -> memref<256xf32, #tpu.memory_space<vmem_shared>>
      tpu.wait_dma2 semaphore(%run_scoped3A_311 : memref<!tpu.dma_semaphore, #tpu.memory_space<semaphore_mem>>) src(%dma_wait3A_323 : memref<256xf32, #tpu.memory_space<vmem_shared>>) dst(%dma_wait3A_322 : memref<256xf32, #tpu.memory_space<vmem>>)
      tpu.yield
    }) : () -> ()
    %mul3A_238 = arith.constant 256 : i32
    %mul3A_239 = arith.muli %arg1, %mul3A_238 : i32
    %add3A_240 = arith.constant 8192 : i32
    %add3A_241 = arith.addi %add3A_240, %mul3A_239 : i32
    "tpu.region"() ({
      %run_scoped3A_311 = tpu.sem_alloc : memref<!tpu.dma_semaphore, #tpu.memory_space<semaphore_mem>>
      %dma_start3A_312 = arith.constant 512 : i32
      %dma_start3A_313 = tpu.memref_slice %arg11[%dma_start3A_312] : memref<4096xf32, #tpu.memory_space<vmem>> -> memref<256xf32, #tpu.memory_space<vmem>>
      %dma_start3A_314 = tpu.memref_slice %arg12[%add3A_241] : memref<65536xf32, #tpu.memory_space<vmem_shared>> -> memref<256xf32, #tpu.memory_space<vmem_shared>>
      %dma_start3A_315 = arith.constant 512 : i32
      %dma_start3A_316 = tpu.memref_slice %arg11[%dma_start3A_315] : memref<4096xf32, #tpu.memory_space<vmem>> -> memref<256xf32, #tpu.memory_space<vmem>>
      %dma_start3A_317 = tpu.memref_slice %arg12[%add3A_241] : memref<65536xf32, #tpu.memory_space<vmem_shared>> -> memref<256xf32, #tpu.memory_space<vmem_shared>>
      tpu.enqueue_dma source(%dma_start3A_317 : memref<256xf32, #tpu.memory_space<vmem_shared>>) target(%dma_start3A_316 : memref<256xf32, #tpu.memory_space<vmem>>) target_semaphore(%run_scoped3A_311 : memref<!tpu.dma_semaphore, #tpu.memory_space<semaphore_mem>>)
      %dma_wait3A_318 = arith.constant 512 : i32
      %dma_wait3A_319 = tpu.memref_slice %arg11[%dma_wait3A_318] : memref<4096xf32, #tpu.memory_space<vmem>> -> memref<256xf32, #tpu.memory_space<vmem>>
      %dma_wait3A_320 = tpu.memref_slice %arg12[%add3A_241] : memref<65536xf32, #tpu.memory_space<vmem_shared>> -> memref<256xf32, #tpu.memory_space<vmem_shared>>
      %dma_wait3A_321 = arith.constant 512 : i32
      %dma_wait3A_322 = tpu.memref_slice %arg11[%dma_wait3A_321] : memref<4096xf32, #tpu.memory_space<vmem>> -> memref<256xf32, #tpu.memory_space<vmem>>
      %dma_wait3A_323 = tpu.memref_slice %arg12[%add3A_241] : memref<65536xf32, #tpu.memory_space<vmem_shared>> -> memref<256xf32, #tpu.memory_space<vmem_shared>>
      tpu.wait_dma2 semaphore(%run_scoped3A_311 : memref<!tpu.dma_semaphore, #tpu.memory_space<semaphore_mem>>) src(%dma_wait3A_323 : memref<256xf32, #tpu.memory_space<vmem_shared>>) dst(%dma_wait3A_322 : memref<256xf32, #tpu.memory_space<vmem>>)
      tpu.yield
    }) : () -> ()
    %mul3A_242 = arith.constant 256 : i32
    %mul3A_243 = arith.muli %arg1, %mul3A_242 : i32
    %add3A_244 = arith.constant 12288 : i32
    %add3A_245 = arith.addi %add3A_244, %mul3A_243 : i32
    "tpu.region"() ({
      %run_scoped3A_311 = tpu.sem_alloc : memref<!tpu.dma_semaphore, #tpu.memory_space<semaphore_mem>>
      %dma_start3A_312 = arith.constant 768 : i32
      %dma_start3A_313 = tpu.memref_slice %arg11[%dma_start3A_312] : memref<4096xf32, #tpu.memory_space<vmem>> -> memref<256xf32, #tpu.memory_space<vmem>>
      %dma_start3A_314 = tpu.memref_slice %arg12[%add3A_245] : memref<65536xf32, #tpu.memory_space<vmem_shared>> -> memref<256xf32, #tpu.memory_space<vmem_shared>>
      %dma_start3A_315 = arith.constant 768 : i32
      %dma_start3A_316 = tpu.memref_slice %arg11[%dma_start3A_315] : memref<4096xf32, #tpu.memory_space<vmem>> -> memref<256xf32, #tpu.memory_space<vmem>>
      %dma_start3A_317 = tpu.memref_slice %arg12[%add3A_245] : memref<65536xf32, #tpu.memory_space<vmem_shared>> -> memref<256xf32, #tpu.memory_space<vmem_shared>>
      tpu.enqueue_dma source(%dma_start3A_317 : memref<256xf32, #tpu.memory_space<vmem_shared>>) target(%dma_start3A_316 : memref<256xf32, #tpu.memory_space<vmem>>) target_semaphore(%run_scoped3A_311 : memref<!tpu.dma_semaphore, #tpu.memory_space<semaphore_mem>>)
      %dma_wait3A_318 = arith.constant 768 : i32
      %dma_wait3A_319 = tpu.memref_slice %arg11[%dma_wait3A_318] : memref<4096xf32, #tpu.memory_space<vmem>> -> memref<256xf32, #tpu.memory_space<vmem>>
      %dma_wait3A_320 = tpu.memref_slice %arg12[%add3A_245] : memref<65536xf32, #tpu.memory_space<vmem_shared>> -> memref<256xf32, #tpu.memory_space<vmem_shared>>
      %dma_wait3A_321 = arith.constant 768 : i32
      %dma_wait3A_322 = tpu.memref_slice %arg11[%dma_wait3A_321] : memref<4096xf32, #tpu.memory_space<vmem>> -> memref<256xf32, #tpu.memory_space<vmem>>
      %dma_wait3A_323 = tpu.memref_slice %arg12[%add3A_245] : memref<65536xf32, #tpu.memory_space<vmem_shared>> -> memref<256xf32, #tpu.memory_space<vmem_shared>>
      tpu.wait_dma2 semaphore(%run_scoped3A_311 : memref<!tpu.dma_semaphore, #tpu.memory_space<semaphore_mem>>) src(%dma_wait3A_323 : memref<256xf32, #tpu.memory_space<vmem_shared>>) dst(%dma_wait3A_322 : memref<256xf32, #tpu.memory_space<vmem>>)
      tpu.yield
    }) : () -> ()
    %mul3A_246 = arith.constant 256 : i32
    %mul3A_247 = arith.muli %arg1, %mul3A_246 : i32
    %add3A_248 = arith.constant 16384 : i32
    %add3A_249 = arith.addi %add3A_248, %mul3A_247 : i32
    "tpu.region"() ({
      %run_scoped3A_311 = tpu.sem_alloc : memref<!tpu.dma_semaphore, #tpu.memory_space<semaphore_mem>>
      %dma_start3A_312 = arith.constant 1024 : i32
      %dma_start3A_313 = tpu.memref_slice %arg11[%dma_start3A_312] : memref<4096xf32, #tpu.memory_space<vmem>> -> memref<256xf32, #tpu.memory_space<vmem>>
      %dma_start3A_314 = tpu.memref_slice %arg12[%add3A_249] : memref<65536xf32, #tpu.memory_space<vmem_shared>> -> memref<256xf32, #tpu.memory_space<vmem_shared>>
      %dma_start3A_315 = arith.constant 1024 : i32
      %dma_start3A_316 = tpu.memref_slice %arg11[%dma_start3A_315] : memref<4096xf32, #tpu.memory_space<vmem>> -> memref<256xf32, #tpu.memory_space<vmem>>
      %dma_start3A_317 = tpu.memref_slice %arg12[%add3A_249] : memref<65536xf32, #tpu.memory_space<vmem_shared>> -> memref<256xf32, #tpu.memory_space<vmem_shared>>
      tpu.enqueue_dma source(%dma_start3A_317 : memref<256xf32, #tpu.memory_space<vmem_shared>>) target(%dma_start3A_316 : memref<256xf32, #tpu.memory_space<vmem>>) target_semaphore(%run_scoped3A_311 : memref<!tpu.dma_semaphore, #tpu.memory_space<semaphore_mem>>)
      %dma_wait3A_318 = arith.constant 1024 : i32
      %dma_wait3A_319 = tpu.memref_slice %arg11[%dma_wait3A_318] : memref<4096xf32, #tpu.memory_space<vmem>> -> memref<256xf32, #tpu.memory_space<vmem>>
      %dma_wait3A_320 = tpu.memref_slice %arg12[%add3A_249] : memref<65536xf32, #tpu.memory_space<vmem_shared>> -> memref<256xf32, #tpu.memory_space<vmem_shared>>
      %dma_wait3A_321 = arith.constant 1024 : i32
      %dma_wait3A_322 = tpu.memref_slice %arg11[%dma_wait3A_321] : memref<4096xf32, #tpu.memory_space<vmem>> -> memref<256xf32, #tpu.memory_space<vmem>>
      %dma_wait3A_323 = tpu.memref_slice %arg12[%add3A_249] : memref<65536xf32, #tpu.memory_space<vmem_shared>> -> memref<256xf32, #tpu.memory_space<vmem_shared>>
      tpu.wait_dma2 semaphore(%run_scoped3A_311 : memref<!tpu.dma_semaphore, #tpu.memory_space<semaphore_mem>>) src(%dma_wait3A_323 : memref<256xf32, #tpu.memory_space<vmem_shared>>) dst(%dma_wait3A_322 : memref<256xf32, #tpu.memory_space<vmem>>)
      tpu.yield
    }) : () -> ()
    %mul3A_250 = arith.constant 256 : i32
    %mul3A_251 = arith.muli %arg1, %mul3A_250 : i32
    %add3A_252 = arith.constant 20480 : i32
    %add3A_253 = arith.addi %add3A_252, %mul3A_251 : i32
    "tpu.region"() ({
      %run_scoped3A_311 = tpu.sem_alloc : memref<!tpu.dma_semaphore, #tpu.memory_space<semaphore_mem>>
      %dma_start3A_312 = arith.constant 1280 : i32
      %dma_start3A_313 = tpu.memref_slice %arg11[%dma_start3A_312] : memref<4096xf32, #tpu.memory_space<vmem>> -> memref<256xf32, #tpu.memory_space<vmem>>
      %dma_start3A_314 = tpu.memref_slice %arg12[%add3A_253] : memref<65536xf32, #tpu.memory_space<vmem_shared>> -> memref<256xf32, #tpu.memory_space<vmem_shared>>
      %dma_start3A_315 = arith.constant 1280 : i32
      %dma_start3A_316 = tpu.memref_slice %arg11[%dma_start3A_315] : memref<4096xf32, #tpu.memory_space<vmem>> -> memref<256xf32, #tpu.memory_space<vmem>>
      %dma_start3A_317 = tpu.memref_slice %arg12[%add3A_253] : memref<65536xf32, #tpu.memory_space<vmem_shared>> -> memref<256xf32, #tpu.memory_space<vmem_shared>>
      tpu.enqueue_dma source(%dma_start3A_317 : memref<256xf32, #tpu.memory_space<vmem_shared>>) target(%dma_start3A_316 : memref<256xf32, #tpu.memory_space<vmem>>) target_semaphore(%run_scoped3A_311 : memref<!tpu.dma_semaphore, #tpu.memory_space<semaphore_mem>>)
      %dma_wait3A_318 = arith.constant 1280 : i32
      %dma_wait3A_319 = tpu.memref_slice %arg11[%dma_wait3A_318] : memref<4096xf32, #tpu.memory_space<vmem>> -> memref<256xf32, #tpu.memory_space<vmem>>
      %dma_wait3A_320 = tpu.memref_slice %arg12[%add3A_253] : memref<65536xf32, #tpu.memory_space<vmem_shared>> -> memref<256xf32, #tpu.memory_space<vmem_shared>>
      %dma_wait3A_321 = arith.constant 1280 : i32
      %dma_wait3A_322 = tpu.memref_slice %arg11[%dma_wait3A_321] : memref<4096xf32, #tpu.memory_space<vmem>> -> memref<256xf32, #tpu.memory_space<vmem>>
      %dma_wait3A_323 = tpu.memref_slice %arg12[%add3A_253] : memref<65536xf32, #tpu.memory_space<vmem_shared>> -> memref<256xf32, #tpu.memory_space<vmem_shared>>
      tpu.wait_dma2 semaphore(%run_scoped3A_311 : memref<!tpu.dma_semaphore, #tpu.memory_space<semaphore_mem>>) src(%dma_wait3A_323 : memref<256xf32, #tpu.memory_space<vmem_shared>>) dst(%dma_wait3A_322 : memref<256xf32, #tpu.memory_space<vmem>>)
      tpu.yield
    }) : () -> ()
    %mul3A_254 = arith.constant 256 : i32
    %mul3A_255 = arith.muli %arg1, %mul3A_254 : i32
    %add3A_256 = arith.constant 24576 : i32
    %add3A_257 = arith.addi %add3A_256, %mul3A_255 : i32
    "tpu.region"() ({
      %run_scoped3A_311 = tpu.sem_alloc : memref<!tpu.dma_semaphore, #tpu.memory_space<semaphore_mem>>
      %dma_start3A_312 = arith.constant 1536 : i32
      %dma_start3A_313 = tpu.memref_slice %arg11[%dma_start3A_312] : memref<4096xf32, #tpu.memory_space<vmem>> -> memref<256xf32, #tpu.memory_space<vmem>>
      %dma_start3A_314 = tpu.memref_slice %arg12[%add3A_257] : memref<65536xf32, #tpu.memory_space<vmem_shared>> -> memref<256xf32, #tpu.memory_space<vmem_shared>>
      %dma_start3A_315 = arith.constant 1536 : i32
      %dma_start3A_316 = tpu.memref_slice %arg11[%dma_start3A_315] : memref<4096xf32, #tpu.memory_space<vmem>> -> memref<256xf32, #tpu.memory_space<vmem>>
      %dma_start3A_317 = tpu.memref_slice %arg12[%add3A_257] : memref<65536xf32, #tpu.memory_space<vmem_shared>> -> memref<256xf32, #tpu.memory_space<vmem_shared>>
      tpu.enqueue_dma source(%dma_start3A_317 : memref<256xf32, #tpu.memory_space<vmem_shared>>) target(%dma_start3A_316 : memref<256xf32, #tpu.memory_space<vmem>>) target_semaphore(%run_scoped3A_311 : memref<!tpu.dma_semaphore, #tpu.memory_space<semaphore_mem>>)
      %dma_wait3A_318 = arith.constant 1536 : i32
      %dma_wait3A_319 = tpu.memref_slice %arg11[%dma_wait3A_318] : memref<4096xf32, #tpu.memory_space<vmem>> -> memref<256xf32, #tpu.memory_space<vmem>>
      %dma_wait3A_320 = tpu.memref_slice %arg12[%add3A_257] : memref<65536xf32, #tpu.memory_space<vmem_shared>> -> memref<256xf32, #tpu.memory_space<vmem_shared>>
      %dma_wait3A_321 = arith.constant 1536 : i32
      %dma_wait3A_322 = tpu.memref_slice %arg11[%dma_wait3A_321] : memref<4096xf32, #tpu.memory_space<vmem>> -> memref<256xf32, #tpu.memory_space<vmem>>
      %dma_wait3A_323 = tpu.memref_slice %arg12[%add3A_257] : memref<65536xf32, #tpu.memory_space<vmem_shared>> -> memref<256xf32, #tpu.memory_space<vmem_shared>>
      tpu.wait_dma2 semaphore(%run_scoped3A_311 : memref<!tpu.dma_semaphore, #tpu.memory_space<semaphore_mem>>) src(%dma_wait3A_323 : memref<256xf32, #tpu.memory_space<vmem_shared>>) dst(%dma_wait3A_322 : memref<256xf32, #tpu.memory_space<vmem>>)
      tpu.yield
    }) : () -> ()
    %mul3A_258 = arith.constant 256 : i32
    %mul3A_259 = arith.muli %arg1, %mul3A_258 : i32
    %add3A_260 = arith.constant 28672 : i32
    %add3A_261 = arith.addi %add3A_260, %mul3A_259 : i32
    "tpu.region"() ({
      %run_scoped3A_311 = tpu.sem_alloc : memref<!tpu.dma_semaphore, #tpu.memory_space<semaphore_mem>>
      %dma_start3A_312 = arith.constant 1792 : i32
      %dma_start3A_313 = tpu.memref_slice %arg11[%dma_start3A_312] : memref<4096xf32, #tpu.memory_space<vmem>> -> memref<256xf32, #tpu.memory_space<vmem>>
      %dma_start3A_314 = tpu.memref_slice %arg12[%add3A_261] : memref<65536xf32, #tpu.memory_space<vmem_shared>> -> memref<256xf32, #tpu.memory_space<vmem_shared>>
      %dma_start3A_315 = arith.constant 1792 : i32
      %dma_start3A_316 = tpu.memref_slice %arg11[%dma_start3A_315] : memref<4096xf32, #tpu.memory_space<vmem>> -> memref<256xf32, #tpu.memory_space<vmem>>
      %dma_start3A_317 = tpu.memref_slice %arg12[%add3A_261] : memref<65536xf32, #tpu.memory_space<vmem_shared>> -> memref<256xf32, #tpu.memory_space<vmem_shared>>
      tpu.enqueue_dma source(%dma_start3A_317 : memref<256xf32, #tpu.memory_space<vmem_shared>>) target(%dma_start3A_316 : memref<256xf32, #tpu.memory_space<vmem>>) target_semaphore(%run_scoped3A_311 : memref<!tpu.dma_semaphore, #tpu.memory_space<semaphore_mem>>)
      %dma_wait3A_318 = arith.constant 1792 : i32
      %dma_wait3A_319 = tpu.memref_slice %arg11[%dma_wait3A_318] : memref<4096xf32, #tpu.memory_space<vmem>> -> memref<256xf32, #tpu.memory_space<vmem>>
      %dma_wait3A_320 = tpu.memref_slice %arg12[%add3A_261] : memref<65536xf32, #tpu.memory_space<vmem_shared>> -> memref<256xf32, #tpu.memory_space<vmem_shared>>
      %dma_wait3A_321 = arith.constant 1792 : i32
      %dma_wait3A_322 = tpu.memref_slice %arg11[%dma_wait3A_321] : memref<4096xf32, #tpu.memory_space<vmem>> -> memref<256xf32, #tpu.memory_space<vmem>>
      %dma_wait3A_323 = tpu.memref_slice %arg12[%add3A_261] : memref<65536xf32, #tpu.memory_space<vmem_shared>> -> memref<256xf32, #tpu.memory_space<vmem_shared>>
      tpu.wait_dma2 semaphore(%run_scoped3A_311 : memref<!tpu.dma_semaphore, #tpu.memory_space<semaphore_mem>>) src(%dma_wait3A_323 : memref<256xf32, #tpu.memory_space<vmem_shared>>) dst(%dma_wait3A_322 : memref<256xf32, #tpu.memory_space<vmem>>)
      tpu.yield
    }) : () -> ()
    %mul3A_262 = arith.constant 256 : i32
    %mul3A_263 = arith.muli %arg1, %mul3A_262 : i32
    %add3A_264 = arith.constant 32768 : i32
    %add3A_265 = arith.addi %add3A_264, %mul3A_263 : i32
    "tpu.region"() ({
      %run_scoped3A_311 = tpu.sem_alloc : memref<!tpu.dma_semaphore, #tpu.memory_space<semaphore_mem>>
      %dma_start3A_312 = arith.constant 2048 : i32
      %dma_start3A_313 = tpu.memref_slice %arg11[%dma_start3A_312] : memref<4096xf32, #tpu.memory_space<vmem>> -> memref<256xf32, #tpu.memory_space<vmem>>
      %dma_start3A_314 = tpu.memref_slice %arg12[%add3A_265] : memref<65536xf32, #tpu.memory_space<vmem_shared>> -> memref<256xf32, #tpu.memory_space<vmem_shared>>
      %dma_start3A_315 = arith.constant 2048 : i32
      %dma_start3A_316 = tpu.memref_slice %arg11[%dma_start3A_315] : memref<4096xf32, #tpu.memory_space<vmem>> -> memref<256xf32, #tpu.memory_space<vmem>>
      %dma_start3A_317 = tpu.memref_slice %arg12[%add3A_265] : memref<65536xf32, #tpu.memory_space<vmem_shared>> -> memref<256xf32, #tpu.memory_space<vmem_shared>>
      tpu.enqueue_dma source(%dma_start3A_317 : memref<256xf32, #tpu.memory_space<vmem_shared>>) target(%dma_start3A_316 : memref<256xf32, #tpu.memory_space<vmem>>) target_semaphore(%run_scoped3A_311 : memref<!tpu.dma_semaphore, #tpu.memory_space<semaphore_mem>>)
      %dma_wait3A_318 = arith.constant 2048 : i32
      %dma_wait3A_319 = tpu.memref_slice %arg11[%dma_wait3A_318] : memref<4096xf32, #tpu.memory_space<vmem>> -> memref<256xf32, #tpu.memory_space<vmem>>
      %dma_wait3A_320 = tpu.memref_slice %arg12[%add3A_265] : memref<65536xf32, #tpu.memory_space<vmem_shared>> -> memref<256xf32, #tpu.memory_space<vmem_shared>>
      %dma_wait3A_321 = arith.constant 2048 : i32
      %dma_wait3A_322 = tpu.memref_slice %arg11[%dma_wait3A_321] : memref<4096xf32, #tpu.memory_space<vmem>> -> memref<256xf32, #tpu.memory_space<vmem>>
      %dma_wait3A_323 = tpu.memref_slice %arg12[%add3A_265] : memref<65536xf32, #tpu.memory_space<vmem_shared>> -> memref<256xf32, #tpu.memory_space<vmem_shared>>
      tpu.wait_dma2 semaphore(%run_scoped3A_311 : memref<!tpu.dma_semaphore, #tpu.memory_space<semaphore_mem>>) src(%dma_wait3A_323 : memref<256xf32, #tpu.memory_space<vmem_shared>>) dst(%dma_wait3A_322 : memref<256xf32, #tpu.memory_space<vmem>>)
      tpu.yield
    }) : () -> ()
    %mul3A_266 = arith.constant 256 : i32
    %mul3A_267 = arith.muli %arg1, %mul3A_266 : i32
    %add3A_268 = arith.constant 36864 : i32
    %add3A_269 = arith.addi %add3A_268, %mul3A_267 : i32
    "tpu.region"() ({
      %run_scoped3A_311 = tpu.sem_alloc : memref<!tpu.dma_semaphore, #tpu.memory_space<semaphore_mem>>
      %dma_start3A_312 = arith.constant 2304 : i32
      %dma_start3A_313 = tpu.memref_slice %arg11[%dma_start3A_312] : memref<4096xf32, #tpu.memory_space<vmem>> -> memref<256xf32, #tpu.memory_space<vmem>>
      %dma_start3A_314 = tpu.memref_slice %arg12[%add3A_269] : memref<65536xf32, #tpu.memory_space<vmem_shared>> -> memref<256xf32, #tpu.memory_space<vmem_shared>>
      %dma_start3A_315 = arith.constant 2304 : i32
      %dma_start3A_316 = tpu.memref_slice %arg11[%dma_start3A_315] : memref<4096xf32, #tpu.memory_space<vmem>> -> memref<256xf32, #tpu.memory_space<vmem>>
      %dma_start3A_317 = tpu.memref_slice %arg12[%add3A_269] : memref<65536xf32, #tpu.memory_space<vmem_shared>> -> memref<256xf32, #tpu.memory_space<vmem_shared>>
      tpu.enqueue_dma source(%dma_start3A_317 : memref<256xf32, #tpu.memory_space<vmem_shared>>) target(%dma_start3A_316 : memref<256xf32, #tpu.memory_space<vmem>>) target_semaphore(%run_scoped3A_311 : memref<!tpu.dma_semaphore, #tpu.memory_space<semaphore_mem>>)
      %dma_wait3A_318 = arith.constant 2304 : i32
      %dma_wait3A_319 = tpu.memref_slice %arg11[%dma_wait3A_318] : memref<4096xf32, #tpu.memory_space<vmem>> -> memref<256xf32, #tpu.memory_space<vmem>>
      %dma_wait3A_320 = tpu.memref_slice %arg12[%add3A_269] : memref<65536xf32, #tpu.memory_space<vmem_shared>> -> memref<256xf32, #tpu.memory_space<vmem_shared>>
      %dma_wait3A_321 = arith.constant 2304 : i32
      %dma_wait3A_322 = tpu.memref_slice %arg11[%dma_wait3A_321] : memref<4096xf32, #tpu.memory_space<vmem>> -> memref<256xf32, #tpu.memory_space<vmem>>
      %dma_wait3A_323 = tpu.memref_slice %arg12[%add3A_269] : memref<65536xf32, #tpu.memory_space<vmem_shared>> -> memref<256xf32, #tpu.memory_space<vmem_shared>>
      tpu.wait_dma2 semaphore(%run_scoped3A_311 : memref<!tpu.dma_semaphore, #tpu.memory_space<semaphore_mem>>) src(%dma_wait3A_323 : memref<256xf32, #tpu.memory_space<vmem_shared>>) dst(%dma_wait3A_322 : memref<256xf32, #tpu.memory_space<vmem>>)
      tpu.yield
    }) : () -> ()
    %mul3A_270 = arith.constant 256 : i32
    %mul3A_271 = arith.muli %arg1, %mul3A_270 : i32
    %add3A_272 = arith.constant 40960 : i32
    %add3A_273 = arith.addi %add3A_272, %mul3A_271 : i32
    "tpu.region"() ({
      %run_scoped3A_311 = tpu.sem_alloc : memref<!tpu.dma_semaphore, #tpu.memory_space<semaphore_mem>>
      %dma_start3A_312 = arith.constant 2560 : i32
      %dma_start3A_313 = tpu.memref_slice %arg11[%dma_start3A_312] : memref<4096xf32, #tpu.memory_space<vmem>> -> memref<256xf32, #tpu.memory_space<vmem>>
      %dma_start3A_314 = tpu.memref_slice %arg12[%add3A_273] : memref<65536xf32, #tpu.memory_space<vmem_shared>> -> memref<256xf32, #tpu.memory_space<vmem_shared>>
      %dma_start3A_315 = arith.constant 2560 : i32
      %dma_start3A_316 = tpu.memref_slice %arg11[%dma_start3A_315] : memref<4096xf32, #tpu.memory_space<vmem>> -> memref<256xf32, #tpu.memory_space<vmem>>
      %dma_start3A_317 = tpu.memref_slice %arg12[%add3A_273] : memref<65536xf32, #tpu.memory_space<vmem_shared>> -> memref<256xf32, #tpu.memory_space<vmem_shared>>
      tpu.enqueue_dma source(%dma_start3A_317 : memref<256xf32, #tpu.memory_space<vmem_shared>>) target(%dma_start3A_316 : memref<256xf32, #tpu.memory_space<vmem>>) target_semaphore(%run_scoped3A_311 : memref<!tpu.dma_semaphore, #tpu.memory_space<semaphore_mem>>)
      %dma_wait3A_318 = arith.constant 2560 : i32
      %dma_wait3A_319 = tpu.memref_slice %arg11[%dma_wait3A_318] : memref<4096xf32, #tpu.memory_space<vmem>> -> memref<256xf32, #tpu.memory_space<vmem>>
      %dma_wait3A_320 = tpu.memref_slice %arg12[%add3A_273] : memref<65536xf32, #tpu.memory_space<vmem_shared>> -> memref<256xf32, #tpu.memory_space<vmem_shared>>
      %dma_wait3A_321 = arith.constant 2560 : i32
      %dma_wait3A_322 = tpu.memref_slice %arg11[%dma_wait3A_321] : memref<4096xf32, #tpu.memory_space<vmem>> -> memref<256xf32, #tpu.memory_space<vmem>>
      %dma_wait3A_323 = tpu.memref_slice %arg12[%add3A_273] : memref<65536xf32, #tpu.memory_space<vmem_shared>> -> memref<256xf32, #tpu.memory_space<vmem_shared>>
      tpu.wait_dma2 semaphore(%run_scoped3A_311 : memref<!tpu.dma_semaphore, #tpu.memory_space<semaphore_mem>>) src(%dma_wait3A_323 : memref<256xf32, #tpu.memory_space<vmem_shared>>) dst(%dma_wait3A_322 : memref<256xf32, #tpu.memory_space<vmem>>)
      tpu.yield
    }) : () -> ()
    %mul3A_274 = arith.constant 256 : i32
    %mul3A_275 = arith.muli %arg1, %mul3A_274 : i32
    %add3A_276 = arith.constant 45056 : i32
    %add3A_277 = arith.addi %add3A_276, %mul3A_275 : i32
    "tpu.region"() ({
      %run_scoped3A_311 = tpu.sem_alloc : memref<!tpu.dma_semaphore, #tpu.memory_space<semaphore_mem>>
      %dma_start3A_312 = arith.constant 2816 : i32
      %dma_start3A_313 = tpu.memref_slice %arg11[%dma_start3A_312] : memref<4096xf32, #tpu.memory_space<vmem>> -> memref<256xf32, #tpu.memory_space<vmem>>
      %dma_start3A_314 = tpu.memref_slice %arg12[%add3A_277] : memref<65536xf32, #tpu.memory_space<vmem_shared>> -> memref<256xf32, #tpu.memory_space<vmem_shared>>
      %dma_start3A_315 = arith.constant 2816 : i32
      %dma_start3A_316 = tpu.memref_slice %arg11[%dma_start3A_315] : memref<4096xf32, #tpu.memory_space<vmem>> -> memref<256xf32, #tpu.memory_space<vmem>>
      %dma_start3A_317 = tpu.memref_slice %arg12[%add3A_277] : memref<65536xf32, #tpu.memory_space<vmem_shared>> -> memref<256xf32, #tpu.memory_space<vmem_shared>>
      tpu.enqueue_dma source(%dma_start3A_317 : memref<256xf32, #tpu.memory_space<vmem_shared>>) target(%dma_start3A_316 : memref<256xf32, #tpu.memory_space<vmem>>) target_semaphore(%run_scoped3A_311 : memref<!tpu.dma_semaphore, #tpu.memory_space<semaphore_mem>>)
      %dma_wait3A_318 = arith.constant 2816 : i32
      %dma_wait3A_319 = tpu.memref_slice %arg11[%dma_wait3A_318] : memref<4096xf32, #tpu.memory_space<vmem>> -> memref<256xf32, #tpu.memory_space<vmem>>
      %dma_wait3A_320 = tpu.memref_slice %arg12[%add3A_277] : memref<65536xf32, #tpu.memory_space<vmem_shared>> -> memref<256xf32, #tpu.memory_space<vmem_shared>>
      %dma_wait3A_321 = arith.constant 2816 : i32
      %dma_wait3A_322 = tpu.memref_slice %arg11[%dma_wait3A_321] : memref<4096xf32, #tpu.memory_space<vmem>> -> memref<256xf32, #tpu.memory_space<vmem>>
      %dma_wait3A_323 = tpu.memref_slice %arg12[%add3A_277] : memref<65536xf32, #tpu.memory_space<vmem_shared>> -> memref<256xf32, #tpu.memory_space<vmem_shared>>
      tpu.wait_dma2 semaphore(%run_scoped3A_311 : memref<!tpu.dma_semaphore, #tpu.memory_space<semaphore_mem>>) src(%dma_wait3A_323 : memref<256xf32, #tpu.memory_space<vmem_shared>>) dst(%dma_wait3A_322 : memref<256xf32, #tpu.memory_space<vmem>>)
      tpu.yield
    }) : () -> ()
    %mul3A_278 = arith.constant 256 : i32
    %mul3A_279 = arith.muli %arg1, %mul3A_278 : i32
    %add3A_280 = arith.constant 49152 : i32
    %add3A_281 = arith.addi %add3A_280, %mul3A_279 : i32
    "tpu.region"() ({
      %run_scoped3A_311 = tpu.sem_alloc : memref<!tpu.dma_semaphore, #tpu.memory_space<semaphore_mem>>
      %dma_start3A_312 = arith.constant 3072 : i32
      %dma_start3A_313 = tpu.memref_slice %arg11[%dma_start3A_312] : memref<4096xf32, #tpu.memory_space<vmem>> -> memref<256xf32, #tpu.memory_space<vmem>>
      %dma_start3A_314 = tpu.memref_slice %arg12[%add3A_281] : memref<65536xf32, #tpu.memory_space<vmem_shared>> -> memref<256xf32, #tpu.memory_space<vmem_shared>>
      %dma_start3A_315 = arith.constant 3072 : i32
      %dma_start3A_316 = tpu.memref_slice %arg11[%dma_start3A_315] : memref<4096xf32, #tpu.memory_space<vmem>> -> memref<256xf32, #tpu.memory_space<vmem>>
      %dma_start3A_317 = tpu.memref_slice %arg12[%add3A_281] : memref<65536xf32, #tpu.memory_space<vmem_shared>> -> memref<256xf32, #tpu.memory_space<vmem_shared>>
      tpu.enqueue_dma source(%dma_start3A_317 : memref<256xf32, #tpu.memory_space<vmem_shared>>) target(%dma_start3A_316 : memref<256xf32, #tpu.memory_space<vmem>>) target_semaphore(%run_scoped3A_311 : memref<!tpu.dma_semaphore, #tpu.memory_space<semaphore_mem>>)
      %dma_wait3A_318 = arith.constant 3072 : i32
      %dma_wait3A_319 = tpu.memref_slice %arg11[%dma_wait3A_318] : memref<4096xf32, #tpu.memory_space<vmem>> -> memref<256xf32, #tpu.memory_space<vmem>>
      %dma_wait3A_320 = tpu.memref_slice %arg12[%add3A_281] : memref<65536xf32, #tpu.memory_space<vmem_shared>> -> memref<256xf32, #tpu.memory_space<vmem_shared>>
      %dma_wait3A_321 = arith.constant 3072 : i32
      %dma_wait3A_322 = tpu.memref_slice %arg11[%dma_wait3A_321] : memref<4096xf32, #tpu.memory_space<vmem>> -> memref<256xf32, #tpu.memory_space<vmem>>
      %dma_wait3A_323 = tpu.memref_slice %arg12[%add3A_281] : memref<65536xf32, #tpu.memory_space<vmem_shared>> -> memref<256xf32, #tpu.memory_space<vmem_shared>>
      tpu.wait_dma2 semaphore(%run_scoped3A_311 : memref<!tpu.dma_semaphore, #tpu.memory_space<semaphore_mem>>) src(%dma_wait3A_323 : memref<256xf32, #tpu.memory_space<vmem_shared>>) dst(%dma_wait3A_322 : memref<256xf32, #tpu.memory_space<vmem>>)
      tpu.yield
    }) : () -> ()
    %mul3A_282 = arith.constant 256 : i32
    %mul3A_283 = arith.muli %arg1, %mul3A_282 : i32
    %add3A_284 = arith.constant 53248 : i32
    %add3A_285 = arith.addi %add3A_284, %mul3A_283 : i32
    "tpu.region"() ({
      %run_scoped3A_311 = tpu.sem_alloc : memref<!tpu.dma_semaphore, #tpu.memory_space<semaphore_mem>>
      %dma_start3A_312 = arith.constant 3328 : i32
      %dma_start3A_313 = tpu.memref_slice %arg11[%dma_start3A_312] : memref<4096xf32, #tpu.memory_space<vmem>> -> memref<256xf32, #tpu.memory_space<vmem>>
      %dma_start3A_314 = tpu.memref_slice %arg12[%add3A_285] : memref<65536xf32, #tpu.memory_space<vmem_shared>> -> memref<256xf32, #tpu.memory_space<vmem_shared>>
      %dma_start3A_315 = arith.constant 3328 : i32
      %dma_start3A_316 = tpu.memref_slice %arg11[%dma_start3A_315] : memref<4096xf32, #tpu.memory_space<vmem>> -> memref<256xf32, #tpu.memory_space<vmem>>
      %dma_start3A_317 = tpu.memref_slice %arg12[%add3A_285] : memref<65536xf32, #tpu.memory_space<vmem_shared>> -> memref<256xf32, #tpu.memory_space<vmem_shared>>
      tpu.enqueue_dma source(%dma_start3A_317 : memref<256xf32, #tpu.memory_space<vmem_shared>>) target(%dma_start3A_316 : memref<256xf32, #tpu.memory_space<vmem>>) target_semaphore(%run_scoped3A_311 : memref<!tpu.dma_semaphore, #tpu.memory_space<semaphore_mem>>)
      %dma_wait3A_318 = arith.constant 3328 : i32
      %dma_wait3A_319 = tpu.memref_slice %arg11[%dma_wait3A_318] : memref<4096xf32, #tpu.memory_space<vmem>> -> memref<256xf32, #tpu.memory_space<vmem>>
      %dma_wait3A_320 = tpu.memref_slice %arg12[%add3A_285] : memref<65536xf32, #tpu.memory_space<vmem_shared>> -> memref<256xf32, #tpu.memory_space<vmem_shared>>
      %dma_wait3A_321 = arith.constant 3328 : i32
      %dma_wait3A_322 = tpu.memref_slice %arg11[%dma_wait3A_321] : memref<4096xf32, #tpu.memory_space<vmem>> -> memref<256xf32, #tpu.memory_space<vmem>>
      %dma_wait3A_323 = tpu.memref_slice %arg12[%add3A_285] : memref<65536xf32, #tpu.memory_space<vmem_shared>> -> memref<256xf32, #tpu.memory_space<vmem_shared>>
      tpu.wait_dma2 semaphore(%run_scoped3A_311 : memref<!tpu.dma_semaphore, #tpu.memory_space<semaphore_mem>>) src(%dma_wait3A_323 : memref<256xf32, #tpu.memory_space<vmem_shared>>) dst(%dma_wait3A_322 : memref<256xf32, #tpu.memory_space<vmem>>)
      tpu.yield
    }) : () -> ()
    %mul3A_286 = arith.constant 256 : i32
    %mul3A_287 = arith.muli %arg1, %mul3A_286 : i32
    %add3A_288 = arith.constant 57344 : i32
    %add3A_289 = arith.addi %add3A_288, %mul3A_287 : i32
    "tpu.region"() ({
      %run_scoped3A_311 = tpu.sem_alloc : memref<!tpu.dma_semaphore, #tpu.memory_space<semaphore_mem>>
      %dma_start3A_312 = arith.constant 3584 : i32
      %dma_start3A_313 = tpu.memref_slice %arg11[%dma_start3A_312] : memref<4096xf32, #tpu.memory_space<vmem>> -> memref<256xf32, #tpu.memory_space<vmem>>
      %dma_start3A_314 = tpu.memref_slice %arg12[%add3A_289] : memref<65536xf32, #tpu.memory_space<vmem_shared>> -> memref<256xf32, #tpu.memory_space<vmem_shared>>
      %dma_start3A_315 = arith.constant 3584 : i32
      %dma_start3A_316 = tpu.memref_slice %arg11[%dma_start3A_315] : memref<4096xf32, #tpu.memory_space<vmem>> -> memref<256xf32, #tpu.memory_space<vmem>>
      %dma_start3A_317 = tpu.memref_slice %arg12[%add3A_289] : memref<65536xf32, #tpu.memory_space<vmem_shared>> -> memref<256xf32, #tpu.memory_space<vmem_shared>>
      tpu.enqueue_dma source(%dma_start3A_317 : memref<256xf32, #tpu.memory_space<vmem_shared>>) target(%dma_start3A_316 : memref<256xf32, #tpu.memory_space<vmem>>) target_semaphore(%run_scoped3A_311 : memref<!tpu.dma_semaphore, #tpu.memory_space<semaphore_mem>>)
      %dma_wait3A_318 = arith.constant 3584 : i32
      %dma_wait3A_319 = tpu.memref_slice %arg11[%dma_wait3A_318] : memref<4096xf32, #tpu.memory_space<vmem>> -> memref<256xf32, #tpu.memory_space<vmem>>
      %dma_wait3A_320 = tpu.memref_slice %arg12[%add3A_289] : memref<65536xf32, #tpu.memory_space<vmem_shared>> -> memref<256xf32, #tpu.memory_space<vmem_shared>>
      %dma_wait3A_321 = arith.constant 3584 : i32
      %dma_wait3A_322 = tpu.memref_slice %arg11[%dma_wait3A_321] : memref<4096xf32, #tpu.memory_space<vmem>> -> memref<256xf32, #tpu.memory_space<vmem>>
      %dma_wait3A_323 = tpu.memref_slice %arg12[%add3A_289] : memref<65536xf32, #tpu.memory_space<vmem_shared>> -> memref<256xf32, #tpu.memory_space<vmem_shared>>
      tpu.wait_dma2 semaphore(%run_scoped3A_311 : memref<!tpu.dma_semaphore, #tpu.memory_space<semaphore_mem>>) src(%dma_wait3A_323 : memref<256xf32, #tpu.memory_space<vmem_shared>>) dst(%dma_wait3A_322 : memref<256xf32, #tpu.memory_space<vmem>>)
      tpu.yield
    }) : () -> ()
    %mul3A_290 = arith.constant 256 : i32
    %mul3A_291 = arith.muli %arg1, %mul3A_290 : i32
    %add3A_292 = arith.constant 61440 : i32
    %add3A_293 = arith.addi %add3A_292, %mul3A_291 : i32
    "tpu.region"() ({
      %run_scoped3A_311 = tpu.sem_alloc : memref<!tpu.dma_semaphore, #tpu.memory_space<semaphore_mem>>
      %dma_start3A_312 = arith.constant 3840 : i32
      %dma_start3A_313 = tpu.memref_slice %arg11[%dma_start3A_312] : memref<4096xf32, #tpu.memory_space<vmem>> -> memref<256xf32, #tpu.memory_space<vmem>>
      %dma_start3A_314 = tpu.memref_slice %arg12[%add3A_293] : memref<65536xf32, #tpu.memory_space<vmem_shared>> -> memref<256xf32, #tpu.memory_space<vmem_shared>>
      %dma_start3A_315 = arith.constant 3840 : i32
      %dma_start3A_316 = tpu.memref_slice %arg11[%dma_start3A_315] : memref<4096xf32, #tpu.memory_space<vmem>> -> memref<256xf32, #tpu.memory_space<vmem>>
      %dma_start3A_317 = tpu.memref_slice %arg12[%add3A_293] : memref<65536xf32, #tpu.memory_space<vmem_shared>> -> memref<256xf32, #tpu.memory_space<vmem_shared>>
      tpu.enqueue_dma source(%dma_start3A_317 : memref<256xf32, #tpu.memory_space<vmem_shared>>) target(%dma_start3A_316 : memref<256xf32, #tpu.memory_space<vmem>>) target_semaphore(%run_scoped3A_311 : memref<!tpu.dma_semaphore, #tpu.memory_space<semaphore_mem>>)
      %dma_wait3A_318 = arith.constant 3840 : i32
      %dma_wait3A_319 = tpu.memref_slice %arg11[%dma_wait3A_318] : memref<4096xf32, #tpu.memory_space<vmem>> -> memref<256xf32, #tpu.memory_space<vmem>>
      %dma_wait3A_320 = tpu.memref_slice %arg12[%add3A_293] : memref<65536xf32, #tpu.memory_space<vmem_shared>> -> memref<256xf32, #tpu.memory_space<vmem_shared>>
      %dma_wait3A_321 = arith.constant 3840 : i32
      %dma_wait3A_322 = tpu.memref_slice %arg11[%dma_wait3A_321] : memref<4096xf32, #tpu.memory_space<vmem>> -> memref<256xf32, #tpu.memory_space<vmem>>
      %dma_wait3A_323 = tpu.memref_slice %arg12[%add3A_293] : memref<65536xf32, #tpu.memory_space<vmem_shared>> -> memref<256xf32, #tpu.memory_space<vmem_shared>>
      tpu.wait_dma2 semaphore(%run_scoped3A_311 : memref<!tpu.dma_semaphore, #tpu.memory_space<semaphore_mem>>) src(%dma_wait3A_323 : memref<256xf32, #tpu.memory_space<vmem_shared>>) dst(%dma_wait3A_322 : memref<256xf32, #tpu.memory_space<vmem>>)
      tpu.yield
    }) : () -> ()
    %broadcast_in_dim3A_294 = arith.constant 1.000000e+00 : f32
    %broadcast_in_dim3A_295 = vector.broadcast %broadcast_in_dim3A_294 : f32 to vector<16xf32>
    %parallel_loop3A_296 = arith.constant 0 : i32
    %parallel_loop3A_297 = arith.constant 16 : i32
    %parallel_loop3A_298 = arith.constant 1 : i32
    scf.for %parallel_loop3A_311 = %parallel_loop3A_296 to %parallel_loop3A_297 step %parallel_loop3A_298  : i32 {
      %parallel_loop3A_312 = arith.constant 16 : i32
      %parallel_loop3A_313 = arith.muli %parallel_loop3A_311, %parallel_loop3A_312 : i32
      %parallel_loop3A_314 = arith.index_cast %parallel_loop3A_313 : i32 to index
      %parallel_loop3A_315 = tpu.vector_load %arg11[%parallel_loop3A_314] {strides = array<i32>} : memref<4096xf32, #tpu.memory_space<vmem>>, vector<16xf32>,
      %parallel_loop3A_316 = arith.constant 16 : i32
      %parallel_loop3A_317 = arith.muli %parallel_loop3A_311, %parallel_loop3A_316 : i32
      %parallel_loop3A_318 = arith.constant 256 : i32
      %parallel_loop3A_319 = arith.addi %parallel_loop3A_318, %parallel_loop3A_317 : i32
      %parallel_loop3A_320 = arith.index_cast %parallel_loop3A_319 : i32 to index
      %parallel_loop3A_321 = tpu.vector_load %arg11[%parallel_loop3A_320] {strides = array<i32>} : memref<4096xf32, #tpu.memory_space<vmem>>, vector<16xf32>,
      %parallel_loop3A_322 = arith.addf %parallel_loop3A_315, %parallel_loop3A_321 : vector<16xf32>
      %parallel_loop3A_323 = arith.constant 16 : i32
      %parallel_loop3A_324 = arith.muli %parallel_loop3A_311, %parallel_loop3A_323 : i32
      %parallel_loop3A_325 = arith.constant 512 : i32
      %parallel_loop3A_326 = arith.addi %parallel_loop3A_325, %parallel_loop3A_324 : i32
      %parallel_loop3A_327 = arith.index_cast %parallel_loop3A_326 : i32 to index
      %parallel_loop3A_328 = tpu.vector_load %arg11[%parallel_loop3A_327] {strides = array<i32>} : memref<4096xf32, #tpu.memory_space<vmem>>, vector<16xf32>,
      %parallel_loop3A_329 = arith.addf %parallel_loop3A_322, %parallel_loop3A_328 : vector<16xf32>
      %parallel_loop3A_330 = arith.constant 16 : i32
      %parallel_loop3A_331 = arith.muli %parallel_loop3A_311, %parallel_loop3A_330 : i32
      %parallel_loop3A_332 = arith.constant 768 : i32
      %parallel_loop3A_333 = arith.addi %parallel_loop3A_332, %parallel_loop3A_331 : i32
      %parallel_loop3A_334 = arith.index_cast %parallel_loop3A_333 : i32 to index
      %parallel_loop3A_335 = tpu.vector_load %arg11[%parallel_loop3A_334] {strides = array<i32>} : memref<4096xf32, #tpu.memory_space<vmem>>, vector<16xf32>,
      %parallel_loop3A_336 = arith.addf %parallel_loop3A_329, %parallel_loop3A_335 : vector<16xf32>
      %parallel_loop3A_337 = arith.constant 16 : i32
      %parallel_loop3A_338 = arith.muli %parallel_loop3A_311, %parallel_loop3A_337 : i32
      %parallel_loop3A_339 = arith.constant 1024 : i32
      %parallel_loop3A_340 = arith.addi %parallel_loop3A_339, %parallel_loop3A_338 : i32
      %parallel_loop3A_341 = arith.index_cast %parallel_loop3A_340 : i32 to index
      %parallel_loop3A_342 = tpu.vector_load %arg11[%parallel_loop3A_341] {strides = array<i32>} : memref<4096xf32, #tpu.memory_space<vmem>>, vector<16xf32>,
      %parallel_loop3A_343 = arith.addf %parallel_loop3A_336, %parallel_loop3A_342 : vector<16xf32>
      %parallel_loop3A_344 = arith.constant 16 : i32
      %parallel_loop3A_345 = arith.muli %parallel_loop3A_311, %parallel_loop3A_344 : i32
      %parallel_loop3A_346 = arith.constant 1280 : i32
      %parallel_loop3A_347 = arith.addi %parallel_loop3A_346, %parallel_loop3A_345 : i32
      %parallel_loop3A_348 = arith.index_cast %parallel_loop3A_347 : i32 to index
      %parallel_loop3A_349 = tpu.vector_load %arg11[%parallel_loop3A_348] {strides = array<i32>} : memref<4096xf32, #tpu.memory_space<vmem>>, vector<16xf32>,
      %parallel_loop3A_350 = arith.addf %parallel_loop3A_343, %parallel_loop3A_349 : vector<16xf32>
      %parallel_loop3A_351 = arith.constant 16 : i32
      %parallel_loop3A_352 = arith.muli %parallel_loop3A_311, %parallel_loop3A_351 : i32
      %parallel_loop3A_353 = arith.constant 1536 : i32
      %parallel_loop3A_354 = arith.addi %parallel_loop3A_353, %parallel_loop3A_352 : i32
      %parallel_loop3A_355 = arith.index_cast %parallel_loop3A_354 : i32 to index
      %parallel_loop3A_356 = tpu.vector_load %arg11[%parallel_loop3A_355] {strides = array<i32>} : memref<4096xf32, #tpu.memory_space<vmem>>, vector<16xf32>,
      %parallel_loop3A_357 = arith.addf %parallel_loop3A_350, %parallel_loop3A_356 : vector<16xf32>
      %parallel_loop3A_358 = arith.constant 16 : i32
      %parallel_loop3A_359 = arith.muli %parallel_loop3A_311, %parallel_loop3A_358 : i32
      %parallel_loop3A_360 = arith.constant 1792 : i32
      %parallel_loop3A_361 = arith.addi %parallel_loop3A_360, %parallel_loop3A_359 : i32
      %parallel_loop3A_362 = arith.index_cast %parallel_loop3A_361 : i32 to index
      %parallel_loop3A_363 = tpu.vector_load %arg11[%parallel_loop3A_362] {strides = array<i32>} : memref<4096xf32, #tpu.memory_space<vmem>>, vector<16xf32>,
      %parallel_loop3A_364 = arith.addf %parallel_loop3A_357, %parallel_loop3A_363 : vector<16xf32>
      %parallel_loop3A_365 = arith.constant 16 : i32
      %parallel_loop3A_366 = arith.muli %parallel_loop3A_311, %parallel_loop3A_365 : i32
      %parallel_loop3A_367 = arith.constant 2048 : i32
      %parallel_loop3A_368 = arith.addi %parallel_loop3A_367, %parallel_loop3A_366 : i32
      %parallel_loop3A_369 = arith.index_cast %parallel_loop3A_368 : i32 to index
      %parallel_loop3A_370 = tpu.vector_load %arg11[%parallel_loop3A_369] {strides = array<i32>} : memref<4096xf32, #tpu.memory_space<vmem>>, vector<16xf32>,
      %parallel_loop3A_371 = arith.addf %parallel_loop3A_364, %parallel_loop3A_370 : vector<16xf32>
      %parallel_loop3A_372 = arith.constant 16 : i32
      %parallel_loop3A_373 = arith.muli %parallel_loop3A_311, %parallel_loop3A_372 : i32
      %parallel_loop3A_374 = arith.constant 2304 : i32
      %parallel_loop3A_375 = arith.addi %parallel_loop3A_374, %parallel_loop3A_373 : i32
      %parallel_loop3A_376 = arith.index_cast %parallel_loop3A_375 : i32 to index
      %parallel_loop3A_377 = tpu.vector_load %arg11[%parallel_loop3A_376] {strides = array<i32>} : memref<4096xf32, #tpu.memory_space<vmem>>, vector<16xf32>,
      %parallel_loop3A_378 = arith.addf %parallel_loop3A_371, %parallel_loop3A_377 : vector<16xf32>
      %parallel_loop3A_379 = arith.constant 16 : i32
      %parallel_loop3A_380 = arith.muli %parallel_loop3A_311, %parallel_loop3A_379 : i32
      %parallel_loop3A_381 = arith.constant 2560 : i32
      %parallel_loop3A_382 = arith.addi %parallel_loop3A_381, %parallel_loop3A_380 : i32
      %parallel_loop3A_383 = arith.index_cast %parallel_loop3A_382 : i32 to index
      %parallel_loop3A_384 = tpu.vector_load %arg11[%parallel_loop3A_383] {strides = array<i32>} : memref<4096xf32, #tpu.memory_space<vmem>>, vector<16xf32>,
      %parallel_loop3A_385 = arith.addf %parallel_loop3A_378, %parallel_loop3A_384 : vector<16xf32>
      %parallel_loop3A_386 = arith.constant 16 : i32
      %parallel_loop3A_387 = arith.muli %parallel_loop3A_311, %parallel_loop3A_386 : i32
      %parallel_loop3A_388 = arith.constant 2816 : i32
      %parallel_loop3A_389 = arith.addi %parallel_loop3A_388, %parallel_loop3A_387 : i32
      %parallel_loop3A_390 = arith.index_cast %parallel_loop3A_389 : i32 to index
      %parallel_loop3A_391 = tpu.vector_load %arg11[%parallel_loop3A_390] {strides = array<i32>} : memref<4096xf32, #tpu.memory_space<vmem>>, vector<16xf32>,
      %parallel_loop3A_392 = arith.addf %parallel_loop3A_385, %parallel_loop3A_391 : vector<16xf32>
      %parallel_loop3A_393 = arith.constant 16 : i32
      %parallel_loop3A_394 = arith.muli %parallel_loop3A_311, %parallel_loop3A_393 : i32
      %parallel_loop3A_395 = arith.constant 3072 : i32
      %parallel_loop3A_396 = arith.addi %parallel_loop3A_395, %parallel_loop3A_394 : i32
      %parallel_loop3A_397 = arith.index_cast %parallel_loop3A_396 : i32 to index
      %parallel_loop3A_398 = tpu.vector_load %arg11[%parallel_loop3A_397] {strides = array<i32>} : memref<4096xf32, #tpu.memory_space<vmem>>, vector<16xf32>,
      %parallel_loop3A_399 = arith.addf %parallel_loop3A_392, %parallel_loop3A_398 : vector<16xf32>
      %parallel_loop3A_400 = arith.constant 16 : i32
      %parallel_loop3A_401 = arith.muli %parallel_loop3A_311, %parallel_loop3A_400 : i32
      %parallel_loop3A_402 = arith.constant 3328 : i32
      %parallel_loop3A_403 = arith.addi %parallel_loop3A_402, %parallel_loop3A_401 : i32
      %parallel_loop3A_404 = arith.index_cast %parallel_loop3A_403 : i32 to index
      %parallel_loop3A_405 = tpu.vector_load %arg11[%parallel_loop3A_404] {strides = array<i32>} : memref<4096xf32, #tpu.memory_space<vmem>>, vector<16xf32>,
      %parallel_loop3A_406 = arith.addf %parallel_loop3A_399, %parallel_loop3A_405 : vector<16xf32>
      %parallel_loop3A_407 = arith.constant 16 : i32
      %parallel_loop3A_408 = arith.muli %parallel_loop3A_311, %parallel_loop3A_407 : i32
      %parallel_loop3A_409 = arith.constant 3584 : i32
      %parallel_loop3A_410 = arith.addi %parallel_loop3A_409, %parallel_loop3A_408 : i32
      %parallel_loop3A_411 = arith.index_cast %parallel_loop3A_410 : i32 to index
      %parallel_loop3A_412 = tpu.vector_load %arg11[%parallel_loop3A_411] {strides = array<i32>} : memref<4096xf32, #tpu.memory_space<vmem>>, vector<16xf32>,
      %parallel_loop3A_413 = arith.addf %parallel_loop3A_406, %parallel_loop3A_412 : vector<16xf32>
      %parallel_loop3A_414 = arith.constant 16 : i32
      %parallel_loop3A_415 = arith.muli %parallel_loop3A_311, %parallel_loop3A_414 : i32
      %parallel_loop3A_416 = arith.constant 3840 : i32
      %parallel_loop3A_417 = arith.addi %parallel_loop3A_416, %parallel_loop3A_415 : i32
      %parallel_loop3A_418 = arith.index_cast %parallel_loop3A_417 : i32 to index
      %parallel_loop3A_419 = tpu.vector_load %arg11[%parallel_loop3A_418] {strides = array<i32>} : memref<4096xf32, #tpu.memory_space<vmem>>, vector<16xf32>,
      %parallel_loop3A_420 = arith.addf %parallel_loop3A_413, %parallel_loop3A_419 : vector<16xf32>
      %parallel_loop3A_421 = arith.maximumf %parallel_loop3A_420, %broadcast_in_dim3A_295 : vector<16xf32>
      %parallel_loop3A_422 = arith.divf %broadcast_in_dim3A_295, %parallel_loop3A_421 : vector<16xf32>
      %parallel_loop3A_423 = arith.index_cast %parallel_loop3A_313 : i32 to index
      %parallel_loop3A_424 = tpu.vector_load %arg11[%parallel_loop3A_423] {strides = array<i32>} : memref<4096xf32, #tpu.memory_space<vmem>>, vector<16xf32>,
      tpu.vector_store %arg11[%parallel_loop3A_423], %parallel_loop3A_422 {strides = array<i32>} : memref<4096xf32, #tpu.memory_space<vmem>>, vector<16xf32>,
    } {sc.loop_unroll_factor = 4 : i64, sc.parallel_access}
    %mul3A_299 = arith.constant 256 : i32
    %mul3A_300 = arith.muli %arg1, %mul3A_299 : i32
    "tpu.region"() ({
      %run_scoped3A_311 = tpu.sem_alloc : memref<!tpu.dma_semaphore, #tpu.memory_space<semaphore_mem>>
      %dma_start3A_312 = arith.constant 0 : i32
      %dma_start3A_313 = tpu.memref_slice %arg11[%dma_start3A_312] : memref<4096xf32, #tpu.memory_space<vmem>> -> memref<256xf32, #tpu.memory_space<vmem>>
      %dma_start3A_314 = tpu.memref_slice %arg13[%mul3A_300] : memref<4096xf32, #tpu.memory_space<vmem_shared>> -> memref<256xf32, #tpu.memory_space<vmem_shared>>
      %dma_start3A_315 = tpu.memref_slice %arg13[%mul3A_300] : memref<4096xf32, #tpu.memory_space<vmem_shared>> -> memref<256xf32, #tpu.memory_space<vmem_shared>>
      %dma_start3A_316 = arith.constant 0 : i32
      %dma_start3A_317 = tpu.memref_slice %arg11[%dma_start3A_316] : memref<4096xf32, #tpu.memory_space<vmem>> -> memref<256xf32, #tpu.memory_space<vmem>>
      tpu.enqueue_dma source(%dma_start3A_317 : memref<256xf32, #tpu.memory_space<vmem>>) target(%dma_start3A_315 : memref<256xf32, #tpu.memory_space<vmem_shared>>) target_semaphore(%run_scoped3A_311 : memref<!tpu.dma_semaphore, #tpu.memory_space<semaphore_mem>>)
      %dma_wait3A_318 = arith.constant 0 : i32
      %dma_wait3A_319 = tpu.memref_slice %arg11[%dma_wait3A_318] : memref<4096xf32, #tpu.memory_space<vmem>> -> memref<256xf32, #tpu.memory_space<vmem>>
      %dma_wait3A_320 = tpu.memref_slice %arg13[%mul3A_300] : memref<4096xf32, #tpu.memory_space<vmem_shared>> -> memref<256xf32, #tpu.memory_space<vmem_shared>>
      %dma_wait3A_321 = tpu.memref_slice %arg13[%mul3A_300] : memref<4096xf32, #tpu.memory_space<vmem_shared>> -> memref<256xf32, #tpu.memory_space<vmem_shared>>
      %dma_wait3A_322 = arith.constant 0 : i32
      %dma_wait3A_323 = tpu.memref_slice %arg11[%dma_wait3A_322] : memref<4096xf32, #tpu.memory_space<vmem>> -> memref<256xf32, #tpu.memory_space<vmem>>
      tpu.wait_dma2 semaphore(%run_scoped3A_311 : memref<!tpu.dma_semaphore, #tpu.memory_space<semaphore_mem>>) src(%dma_wait3A_323 : memref<256xf32, #tpu.memory_space<vmem>>) dst(%dma_wait3A_321 : memref<256xf32, #tpu.memory_space<vmem_shared>>)
      tpu.yield
    }) : () -> ()
    %barrier3A_301 = arith.constant 0 : index
    tpu.barrier barrier_id(%barrier3A_301)
    "tpu.region"() ({
      %run_scoped3A_311 = tpu.sem_alloc : memref<!tpu.dma_semaphore, #tpu.memory_space<semaphore_mem>>
      tpu.enqueue_dma source(%arg13 : memref<4096xf32, #tpu.memory_space<vmem_shared>>) target(%arg11 : memref<4096xf32, #tpu.memory_space<vmem>>) target_semaphore(%run_scoped3A_311 : memref<!tpu.dma_semaphore, #tpu.memory_space<semaphore_mem>>)
      tpu.wait_dma2 semaphore(%run_scoped3A_311 : memref<!tpu.dma_semaphore, #tpu.memory_space<semaphore_mem>>) src(%arg13 : memref<4096xf32, #tpu.memory_space<vmem_shared>>) dst(%arg11 : memref<4096xf32, #tpu.memory_space<vmem>>)
      tpu.yield
    }) : () -> ()
    %parallel_loop3A_302 = arith.constant 0 : i32
    %parallel_loop3A_303 = arith.constant 256 : i32
    %parallel_loop3A_304 = arith.constant 1 : i32
    scf.for %parallel_loop3A_311 = %parallel_loop3A_302 to %parallel_loop3A_303 step %parallel_loop3A_304  : i32 {
      %parallel_loop3A_312 = arith.constant 16 : i32
      %parallel_loop3A_313 = arith.muli %parallel_loop3A_311, %parallel_loop3A_312 : i32
      %parallel_loop3A_314 = arith.index_cast %parallel_loop3A_313 : i32 to index
      %parallel_loop3A_315 = tpu.vector_load %arg11[%parallel_loop3A_314] {strides = array<i32>} : memref<4096xf32, #tpu.memory_space<vmem>>, vector<16xf32>,
      %parallel_loop3A_316 = arith.index_cast %parallel_loop3A_313 : i32 to index
      %parallel_loop3A_317 = tpu.vector_load %arg8[%parallel_loop3A_316] {strides = array<i32>} : memref<4096xf32, #tpu.memory_space<vmem>>, vector<16xf32>,
      %parallel_loop3A_318 = arith.mulf %parallel_loop3A_317, %parallel_loop3A_315 : vector<16xf32>
      %parallel_loop3A_319 = arith.index_cast %parallel_loop3A_313 : i32 to index
      %parallel_loop3A_320 = tpu.vector_load %arg8[%parallel_loop3A_319] {strides = array<i32>} : memref<4096xf32, #tpu.memory_space<vmem>>, vector<16xf32>,
      tpu.vector_store %arg8[%parallel_loop3A_319], %parallel_loop3A_318 {strides = array<i32>} : memref<4096xf32, #tpu.memory_space<vmem>>, vector<16xf32>,
      %parallel_loop3A_321 = arith.index_cast %parallel_loop3A_313 : i32 to index
      %parallel_loop3A_322 = tpu.vector_load %arg9[%parallel_loop3A_321] {strides = array<i32>} : memref<4096xf32, #tpu.memory_space<vmem>>, vector<16xf32>,
      %parallel_loop3A_323 = arith.mulf %parallel_loop3A_322, %parallel_loop3A_315 : vector<16xf32>
      %parallel_loop3A_324 = arith.index_cast %parallel_loop3A_313 : i32 to index
      %parallel_loop3A_325 = tpu.vector_load %arg9[%parallel_loop3A_324] {strides = array<i32>} : memref<4096xf32, #tpu.memory_space<vmem>>, vector<16xf32>,
      tpu.vector_store %arg9[%parallel_loop3A_324], %parallel_loop3A_323 {strides = array<i32>} : memref<4096xf32, #tpu.memory_space<vmem>>, vector<16xf32>,
    } {sc.loop_unroll_factor = 4 : i64, sc.parallel_access}
    %mul3A_305 = arith.constant 4096 : i32
    %mul3A_306 = arith.muli %mul3A_14, %mul3A_305 : i32
    "tpu.region"() ({
      %run_scoped3A_311 = tpu.sem_alloc : memref<!tpu.dma_semaphore, #tpu.memory_space<semaphore_mem>>
      %dma_start3A_312 = tpu.memref_slice %arg4[%mul3A_306] : memref<262144xf32, #tpu.memory_space<hbm>> -> memref<4096xf32, #tpu.memory_space<hbm>>
      %dma_start3A_313 = tpu.memref_slice %arg4[%mul3A_306] : memref<262144xf32, #tpu.memory_space<hbm>> -> memref<4096xf32, #tpu.memory_space<hbm>>
      tpu.enqueue_dma source(%arg8 : memref<4096xf32, #tpu.memory_space<vmem>>) target(%dma_start3A_313 : memref<4096xf32, #tpu.memory_space<hbm>>) target_semaphore(%run_scoped3A_311 : memref<!tpu.dma_semaphore, #tpu.memory_space<semaphore_mem>>)
      %dma_wait3A_314 = tpu.memref_slice %arg4[%mul3A_306] : memref<262144xf32, #tpu.memory_space<hbm>> -> memref<4096xf32, #tpu.memory_space<hbm>>
      %dma_wait3A_315 = tpu.memref_slice %arg4[%mul3A_306] : memref<262144xf32, #tpu.memory_space<hbm>> -> memref<4096xf32, #tpu.memory_space<hbm>>
      tpu.wait_dma2 semaphore(%run_scoped3A_311 : memref<!tpu.dma_semaphore, #tpu.memory_space<semaphore_mem>>) src(%arg8 : memref<4096xf32, #tpu.memory_space<vmem>>) dst(%dma_wait3A_315 : memref<4096xf32, #tpu.memory_space<hbm>>)
      tpu.yield
    }) : () -> ()
    %add3A_307 = arith.constant 1 : i32
    %add3A_308 = arith.addi %mul3A_14, %add3A_307 : i32
    %mul3A_309 = arith.constant 4096 : i32
    %mul3A_310 = arith.muli %add3A_308, %mul3A_309 : i32
    "tpu.region"() ({
      %run_scoped3A_311 = tpu.sem_alloc : memref<!tpu.dma_semaphore, #tpu.memory_space<semaphore_mem>>
      %dma_start3A_312 = tpu.memref_slice %arg4[%mul3A_310] : memref<262144xf32, #tpu.memory_space<hbm>> -> memref<4096xf32, #tpu.memory_space<hbm>>
      %dma_start3A_313 = tpu.memref_slice %arg4[%mul3A_310] : memref<262144xf32, #tpu.memory_space<hbm>> -> memref<4096xf32, #tpu.memory_space<hbm>>
      tpu.enqueue_dma source(%arg9 : memref<4096xf32, #tpu.memory_space<vmem>>) target(%dma_start3A_313 : memref<4096xf32, #tpu.memory_space<hbm>>) target_semaphore(%run_scoped3A_311 : memref<!tpu.dma_semaphore, #tpu.memory_space<semaphore_mem>>)
      %dma_wait3A_314 = tpu.memref_slice %arg4[%mul3A_310] : memref<262144xf32, #tpu.memory_space<hbm>> -> memref<4096xf32, #tpu.memory_space<hbm>>
      %dma_wait3A_315 = tpu.memref_slice %arg4[%mul3A_310] : memref<262144xf32, #tpu.memory_space<hbm>> -> memref<4096xf32, #tpu.memory_space<hbm>>
      tpu.wait_dma2 semaphore(%run_scoped3A_311 : memref<!tpu.dma_semaphore, #tpu.memory_space<semaphore_mem>>) src(%arg9 : memref<4096xf32, #tpu.memory_space<vmem>>) dst(%dma_wait3A_315 : memref<4096xf32, #tpu.memory_space<hbm>>)
      tpu.yield
    }) : () -> ()
    return
  }
}

</mosaic_0001>

<sc_bundles>
// kernel: kernel.3.cloned.1.call-start
scs
__scs_entry_jumppad:
0x0: {  	(pc) =	sbr.rel $0x88, $3  }
0x1: {  	(tag) =	ssettag $0x0;
	lr =	simm.s32 $0x1  }
0x2: {  	[smem:$0x3F9F] =	sst lr;
	_ =	strace $0xD0000000  }
0x3: {  	_ = 	snop  }
0x4: {  	_ = 	snop  }
0x5: {  	_ = 	snop  }
0x6: {  	_ = 	snop  }
0x7: {  	_ = 	snop  }
__scs_overlays_trampoline_lowered:
0x8: {  	[smem:$0x3FAE] =	sst s0  }
0x9: {  	[smem:$0x3FAF] =	sst s1  }
0xa: {  	[smem:$0x3FB0] =	sst s2  }
0xb: {  	[smem:$0x3FB1] =	sst s3  }
0xc: {  	[smem:$0x3FB2] =	sst s4  }
0xd: {  	[smem:$0x3FB3] =	sst s5  }
0xe: {  	[smem:$0x3FB4] =	sst s6  }
0xf: {  	[smem:$0x3FB5] =	sst s7  }
0x10: {  	[smem:$0x3FB6] =	sst s8  }
0x11: {  	[smem:$0x3FB7] =	sst s9;
	s0 =	simm.s32 @!p0 $0x0  }
0x12: {  	s1 =	sld [smem:$0x3F9D];
	s0 =	simm.s32 @p0 $0x1  }
0x13: {  	[smem:$0x3FB8] =	sst s0;
	s0 =	simm.s32 @!p1 $0x0  }
0x14: {  	s2 =	sld [smem:$0x3F9C];
	s0 =	simm.s32 @p1 $0x1  }
0x15: {  	[smem:$0x3FB9] =	sst s0;
	s0 =	simm.s32 @!p2 $0x0  }
0x16: {  	s3 =	sld [smem:$0x3FDB];
	s0 =	simm.s32 @p2 $0x1  }
0x17: {  	s4 =	simm.s32 $0x1BF5;
	[smem:$0x3FBB] =	sst s0  }
0x18: {  	s0 =	sld [smem:$0x3F9E];
	_ =	swait.ge [sflag:s4], $0x0  }
0x19: {  	s7 =	sld [smem:$0x3F9F]  }
0x1a: {  	s8 =	sadd.s32 $0xFFFFE003, lr  }
0x1b: {  	s9 =	sadd.s32 $0xFFFFFEF7, lr;
	s5 =	simm.s32 $0xFFFFFFFF;
	p2 =	slt.u32 s8, $0xFFFFF086  }
0x1c: {  	p1 =	slt.u32 s9, $0xF7A;
	s5 =	simm.s32 @!p2 $0x0  }
0x1d: {  	s5 =	simm.s32 @p1 $0x1;
	p0 =	seq.s32 s7, s2  }
0x1e: {  	s7 =	smul.u32 @!p0 $0xF7A, s2;
	p2 =	seq.s32 @!p0 s5, $0x0  }
0x1f: {  	s9 =	smul.u32 $0xF7A, s1;
	s8 =	simm.s32 @!p0 $0x1BF5;
	p2 =	por !p2, p0  }
0x20: {  	[sflag:s8] =	ssyncset.s32 @!p0 $0xFFFFF086;
	s6 =	sadd.s32 @!p0 s3, s7;
	s7 =	simm.s32 @!p0 $0x108  }
0x21: {  	s3 =	sadd.s32 s3, s9;
	s6 =	sadd.s32 @!p0 $0x88, s6;
	s7 =	simm.s32 @p2 $0x1082  }
0x22: {  	[simem:s7], [sflag:s8] =	dma.local @!p0 [hbm:s6], $0xF7A  }
0x23: {  	s9 =	sor.u32 $0xD0000000, s2;
	s6 =	simm.s32 $0x108;
	_ =	swait.ge @!p0 [sflag:s8], $0x0  }
0x24: {  	s3 =	sadd.s32 $0x88, s3;
	s6 =	simm.s32 @!p1 $0x1082;
	[sflag:s4] =	ssyncset.s32 $0xFFFFF086  }
0x25: {  	[simem:s6], [sflag:s4] =	dma.local [hbm:s3], $0xF7A  }
0x26: {  	[smem:$0x3F9F] =	sst s1;
	(tag) =	ssettag s2;
	_ =	strace s9  }
0x27: {  	s1 =	sld [smem:$0x3FAF]  }
0x28: {  	s2 =	sld [smem:$0x3FB0]  }
0x29: {  	s4 =	sld [smem:$0x3FB2]  }
0x2a: {  	p0 =	seq.s32 s5, $0x0;
	s5 =	sld [smem:$0x3FB3]  }
0x2b: {  	s6 =	sld [smem:$0x3FB4]  }
0x2c: {  	s7 =	sld [smem:$0x3FB5]  }
0x2d: {  	s3 =	simm.s32 $0x108;
	s8 =	sld [smem:$0x3FB6]  }
0x2e: {  	s3 =	simm.s32 @!p0 $0x1082;
	s9 =	sld [smem:$0x3FB7]  }
0x2f: {  	lr =	sadd.s32 s0, s3;
	s0 =	sld [smem:$0x3FAE]  }
0x30: {  	s3 =	sld [smem:$0x3FB1]  }
0x31: {  	[smem:$0x3FBA] =	sst s10  }
0x32: {  	s10 =	sld [smem:$0x3FB8];
	_ =	sdelay $0x3  }
0x33: {  	p0 =	seq.s32 s10, $0x1;
	s10 =	sld [smem:$0x3FBA];
	_ =	sdelay $0x3  }
0x34: {  	[smem:$0x3FBA] =	sst s10  }
0x35: {  	s10 =	sld [smem:$0x3FB9];
	_ =	sdelay $0x3  }
0x36: {  	p1 =	seq.s32 s10, $0x1;
	s10 =	sld [smem:$0x3FBA];
	_ =	sdelay $0x3  }
0x37: {  	[smem:$0x3FBA] =	sst s10  }
0x38: {  	s10 =	sld [smem:$0x3FBB]  }
0x39: {  	_ = 	snop;
	(pc) =	sbr.ind lr, $3  }
0x3a: {  	_ = 	snop  }
0x3b: {  	_ = 	snop  }
0x3c: {  	p2 =	seq.s32 s10, $0x1;
	s10 =	sld [smem:$0x3FBA]  }
0x3d: {  	_ =	shalt  }
0x3e: {  	_ =	shalt  }
0x3f: {  	_ =	shalt  }
0x40: {  	_ =	shalt  }
0x41: {  	_ =	shalt  }
0x42: {  	_ =	shalt  }
0x43: {  	_ =	shalt  }
0x44: {  	_ =	shalt  }
0x45: {  	_ =	shalt  }
0x46: {  	_ =	shalt  }
0x47: {  	_ =	shalt  }
0x48: {  	_ =	shalt  }
0x49: {  	_ =	shalt  }
0x4a: {  	_ =	shalt  }
0x4b: {  	_ =	shalt  }
0x4c: {  	_ =	shalt  }
0x4d: {  	_ =	shalt  }
0x4e: {  	_ =	shalt  }
0x4f: {  	_ =	shalt  }
0x50: {  	_ =	shalt  }
0x51: {  	_ =	shalt  }
0x52: {  	_ =	shalt  }
0x53: {  	_ =	shalt  }
0x54: {  	_ =	shalt  }
0x55: {  	_ =	shalt  }
0x56: {  	_ =	shalt  }
0x57: {  	_ =	shalt  }
0x58: {  	_ =	shalt  }
0x59: {  	_ =	shalt  }
0x5a: {  	_ =	shalt  }
0x5b: {  	_ =	shalt  }
0x5c: {  	_ =	shalt  }
0x5d: {  	_ =	shalt  }
0x5e: {  	_ =	shalt  }
0x5f: {  	_ =	shalt  }
0x60: {  	_ =	shalt  }
0x61: {  	_ =	shalt  }
0x62: {  	_ =	shalt  }
0x63: {  	_ =	shalt  }
0x64: {  	_ =	shalt  }
0x65: {  	_ =	shalt  }
0x66: {  	_ =	shalt  }
0x67: {  	_ =	shalt  }
0x68: {  	_ =	shalt  }
0x69: {  	_ =	shalt  }
0x6a: {  	_ =	shalt  }
0x6b: {  	_ =	shalt  }
0x6c: {  	_ =	shalt  }
0x6d: {  	_ =	shalt  }
0x6e: {  	_ =	shalt  }
0x6f: {  	_ =	shalt  }
0x70: {  	_ =	shalt  }
0x71: {  	_ =	shalt  }
0x72: {  	_ =	shalt  }
0x73: {  	_ =	shalt  }
0x74: {  	_ =	shalt  }
0x75: {  	_ =	shalt  }
0x76: {  	_ =	shalt  }
0x77: {  	_ =	shalt  }
0x78: {  	_ =	shalt  }
0x79: {  	_ =	shalt  }
0x7a: {  	_ =	shalt  }
0x7b: {  	_ =	shalt  }
0x7c: {  	_ =	shalt  }
0x7d: {  	_ =	shalt  }
0x7e: {  	_ =	shalt  }
0x7f: {  	_ =	shalt  }
0x80: {  	_ =	shalt  }
0x81: {  	_ =	shalt  }
0x82: {  	_ =	shalt  }
0x83: {  	_ =	shalt  }
0x84: {  	_ =	shalt  }
0x85: {  	_ =	shalt  }
0x86: {  	_ =	shalt  }
0x87: {  	_ =	shalt  }
.Lfunc_end0:
.L_simem_size_0:
called_computation_lowered:
.L_overlay_start_0:
0x88: {  	s2 =	sld [smem:$0x3FD9]  }
0x89: {  	s3 =	sld [smem:$0x3FFE];
	_ =	sdelay $0x1  }
0x8a: {  	s1 =	srdreg.scid  }
0x8b: {  	s0 =	sand.u32 $0x1, s1  }
0x8c: {  	s17 =	sshll.u32 s0, $0xA;
	s2 =	sadd.s32 s3, s2  }
0x8d: {  	s2 =	sadd.s32 s2, s17  }
0x8e: {  	[smem:$0x3FC6] =	sst s2  }
0x8f: {  	_ = 	snop  }
0x90: {  	s2 =	sld [smem:$0x3FC9]  }
0x91: {  	s18 =	sld [smem:$0x3FD0];
	(tm) =	ssettm $0x1  }
0x92: {  	s4 =	sld [smem:$0x3FFB];
	_ =	sdelay $0x3  }
0x93: {  	_ =	strace s4  }
0x94: {  	s4 =	sld [smem:$0x3FFC];
	_ =	sdelay $0x3  }
0x95: {  	_ =	strace s4  }
0x96: {  	s4 =	sld [smem:$0x3FFD];
	_ =	sdelay $0x3  }
0x97: {  	_ =	strace s4  }
0x98: {  	_ =	strace $0x8FFFFFFF  }
0x99: {  	s19 =	sld [smem:$0x3FDB];
	_ =	sdelay $0x1  }
0x9a: {  	s5 =	simm.s32 $_scs_section_size  }
0x9b: {  	s6 =	simm.s32 $_size__tile_overlayer_lowered;
	s7 =	simm.s32 $_tile_overlayer_lowered  }
0x9c: {  	s22 =	simm.s32 $0x1BFF;
	s21 =	sshll.u32 s7, $0x1;
	s4 =	sadd.s32 s5, s19  }
0x9d: {  	s8 =	simm.s32 $0x0;
	s20 =	sshll.u32 s6, $0x1;
	s6 =	sadd.s32 s21, s4  }
0x9e: {  	[timem:s8], [sflag:s22] =	dma.local [hbm:s6], s20  }
0x9f: {  	_ =	swait.ge [sflag:s22], s20  }
0xa0: {  	s5 =	ssub.s32 $0x0, s20;
	[sflag:s22] =	ssyncset.done $0x0  }
0xa1: {  	[sflag:s22] =	ssyncadd.s32 s5;
	_ =	sdelay $0x1  }
0xa2: {  	s23 =	simm.s32 $0x1B8B  }
0xa3: {  	_ =	swait.ge [sflag:s23], $0x1  }
0xa4: {  	[sflag:s23] =	ssyncset.done $0x0  }
0xa5: {  	s25 =	simm.s32 $0x1B8E;
	s24 =	sld [smem:$0x3FFE];
	[sflag:s23] =	ssyncadd.s32 $0xFFFFFFFF  }
0xa6: {  	s26 =	simm.s32 $execute0_lowered;
	[smem:$0x3FD2] =	sst s25  }
0xa7: {  	s6 =	sshll.u32 s26, $0x1;
	_ =	strace $0x80000046;
	[dreg:$0x1] =	wrdreg $0xFFFFFFFF  }
0xa8: {  	s28 =	simm.s32 $_size_execute0_lowered;
	s4 =	sadd.s32 s4, s6;
	[dreg:$0x0] =	wrdreg $0x0  }
0xa9: {  	s6 =	sshll.u32 s28, $0x1;
	[dreg:$0x2] =	wrdreg s4  }
0xaa: {  	[dreg:$0x3] =	wrdreg s6  }
0xab: {  	[dreg:$0x4] =	wrdreg $0xC0  }
0xac: {  	_ =	task [dreg:s8], $0x5FFFF  }
0xad: {  	[dreg:$0x1] =	wrdreg $0xFFFFFFFF  }
0xae: {  	[dreg:$0x0] =	wrdreg $0x60  }
0xaf: {  	[dreg:$0x2] =	wrdreg s2  }
0xb0: {  	[dreg:$0x3] =	wrdreg s18  }
0xb1: {  	[dreg:$0x4] =	wrdreg s24  }
0xb2: {  	[dreg:$0x5] =	wrdreg $0x1C0000  }
0xb3: {  	[dreg:$0x6] =	wrdreg $0x1D0000  }
0xb4: {  	[dreg:$0x7] =	wrdreg $0x9  }
0xb5: {  	_ =	task.clear_ibuf [dreg:s8], $0x8FFFF;
	_ =	strace $0x90000046  }
0xb6: {  	s29 =	simm.s32 $0x9;
	_ =	strace $0x80000048  }
0xb7: {  	_ =	swait.ge [sflag:s29], $0x1  }
0xb8: {  	[sflag:s29] =	ssyncadd.s32 $0xFFFFFFFF  }
0xb9: {  	_ =	strace $0x90000048  }
0xba: {  	_ =	sfence  }
0xbb: {  	s30 =	sld [smem:$0x0];
	_ =	sdelay $0x2  }
0xbc: {  	s31 =	sshll.u32 s1, $0xD;
	s1 =	sshrl.u32 s1, $0x2  }
0xbd: {  	s3 =	sand.u32 $0x4000, s31;
	s1 =	sadd.s32 s1, s30  }
0xbe: {  	s0 =	sor.u32 s3, s0;
	s1 =	sshll.u32 s1, $0x11  }
0xbf: {  	s0 =	sor.u32 s1, s0  }
0xc0: {  	s0 =	sadd.s32 $0x8F2B, s0  }
0xc1: {  	[sflag:s0] =	ssyncadd.remote.s32 $0x1  }
0xc2: {  	_ =	sfence.sel $0xFFFF  }
0xc3: {  	[dreg:$0x0] =	wrdreg $0xFFFFFFFF;
	(pc) =	sbr.abs _section_cstart, $3  }
0xc4: {  	[dreg:$0x1] =	wrdreg $0xFFFFFFFF  }
0xc5: {  	_ =	task.clear_ibuf [dreg:s8], $0x2FFFF;
	_ =	strace $0x9FFFFFFF  }
0xc6: {  	(tm) =	ssettm $0x7FFFFFFF  }
0xc7: {  	_ =	shalt  }
tec
execute0_lowered:
.L_overlay_start_1:
0x0: {  	(tag) =	ssettag $0x1  }
0x1: {  	s1 =	rddreg [dreg:$0x0]  }
0x2: {  	s2 =	rddreg [dreg:$0x1]  }
0x3: {  	s0 =	rddreg [dreg:$0x2]  }
0x4: {  	s3 =	rddreg [dreg:$0x3]  }
0x5: {  	s15 =	rddreg [dreg:$0x4];
	s5 =	simm.s32 $0x0;
	s4 =	srdreg.scid  }
0x6: {  	s12 =	stileid.u32;
	[smem:$0x7FF] =	sst s5  }
0x7: {  	s4 =	sand.u32 $0x1, s4;
	s0 =	sadd.s32 $0x400, s0;
	s7 =	sshll.u32 s12, $0x1  }
0x8: {  	s22 =	sshll.u32 s12, $0xB;
	s23 =	sshll.u32 s12, $0x14;
	s28 =	sshll.u32 s12, $0xC  }
0x9: {  	s12 =	sshll.u32 s12, $0x8;
	s31 =	sadd.s32 $0x800, s2;
	s14 =	sadd.s32 $0x800, s1  }
0xa: {  	_ =	strace $0x80000047;
	s6 =	ssub.s32 $0x2, s4;
	s4 =	sor.u32 s4, s7  }
0xb: {  	s7 =	sadd.s32 s2, s22;
	s11 =	sand.u32 $0xE00000, s23;
	[dreg:$0xa] =	wrdreg s31  }
0xc: {  	s23 =	sadd.s32 s12, s15;
	s8 =	sshrl.u32 s6, $0x1;
	[dreg:$0x6] =	wrdreg s7  }
0xd: {  	s9 =	sshllo.u32 s4, $0x1;
	s24 =	sshll.u32 s4, $0x13;
	[dreg:$0x15] =	wrdreg s23  }
0xe: {  	s6 =	ssub.s32 s6, s8;
	s10 =	sshll.u32 s9, $0x12;
	s25 =	sand.u32 $0x180000, s24  }
0xf: {  	s26 =	sand.u32 $0x1C0000, s10;
	s7 =	sor.u32 s11, s25;
	s10 =	sadd.s32 s28, s3  }
0x10: {  	s24 =	smax.u32 s6, $0x1;
	[dreg:$0x7] =	wrdreg s10;
	s29 =	sshrl.u32 s7, $0x3  }
0x11: {  	s8 =	sor.u32 s11, s26;
	[dreg:$0x16] =	wrdreg s24;
	s13 =	sadd.s32 s1, s29  }
0x12: {  	s11 =	sshrl.u32 s8, $0x3;
	s10 =	sadd.s32 s29, s14;
	[dreg:$0x8] =	wrdreg s13  }
0x13: {  	s20 =	sshll.u32 s4, $0xA;
	s30 =	sadd.s32 s1, s11;
	[dreg:$0xb] =	wrdreg s10  }
0x14: {  	s21 =	sshll.u32 s9, $0x9;
	s11 =	sadd.s32 s11, s14;
	[dreg:$0x9] =	wrdreg s30  }
0x15: {  	s13 =	sadd.s32 s12, s3;
	s3 =	sadd.s32 s0, s20;
	[dreg:$0xc] =	wrdreg s11  }
0x16: {  	s0 =	sadd.s32 s0, s21;
	[dreg:$0x12] =	wrdreg s3  }
0x17: {  	s14 =	sadd.s32 $0x1000, s13;
	[dreg:$0x13] =	wrdreg s0  }
0x18: {  	s16 =	sadd.s32 $0x2000, s13;
	[dreg:$0xd] =	wrdreg s14  }
0x19: {  	s17 =	sadd.s32 $0x3000, s13;
	[dreg:$0xe] =	wrdreg s16  }
0x1a: {  	s18 =	sadd.s32 $0x4000, s13;
	[dreg:$0xf] =	wrdreg s17  }
0x1b: {  	s15 =	simm.s32 $0xC000;
	s19 =	sadd.s32 $0x5000, s13;
	[dreg:$0x10] =	wrdreg s18  }
0x1c: {  	s9 =	simm.s32 $0x3;
	s22 =	sadd.s32 $0x6000, s13;
	[dreg:$0x11] =	wrdreg s19  }
0x1d: {  	s10 =	simm.s32 $0x1A000;
	s25 =	sadd.s32 $0x7000, s13;
	[dreg:$0x14] =	wrdreg s22  }
0x1e: {  	s12 =	simm.s32 $0x10000;
	s26 =	sadd.s32 $0x8000, s13;
	[dreg:$0x17] =	wrdreg s25  }
0x1f: {  	s20 =	simm.s32 $0x2;
	s28 =	sadd.s32 $0x9000, s13;
	[dreg:$0x18] =	wrdreg s26  }
0x20: {  	s21 =	simm.s32 $0x1B000;
	s29 =	sadd.s32 $0xA000, s13;
	[dreg:$0x19] =	wrdreg s28  }
0x21: {  	s30 =	sadd.s32 $0xB000, s13;
	s31 =	sadd.s32 $0xC000, s13;
	[dreg:$0x1a] =	wrdreg s29  }
0x22: {  	s4 =	sadd.s32 $0xD000, s13;
	s3 =	sadd.s32 $0xE000, s13;
	[dreg:$0x1b] =	wrdreg s30  }
0x23: {  	s6 =	sadd.s32 $0xF000, s13;
	s11 =	simm.s32 $0x8000;
	[dreg:$0x1c] =	wrdreg s31  }
0x24: {  	s14 =	simm.s32 $0x4000;
	s16 =	simm.s32 $0x14000;
	s17 =	simm.s32 $0x1  }
0x25: {  	v0 =	vimm.f32 $0.0e+00;
	v1 =	vimm.f32 $1.000000000e+00;
	s18 =	simm.s32 $0x18000;
	s19 =	simm.s32 $0x19000;
	s22 =	simm.s32 $0x0  }
.LBB2_1:
0x26: {  	s25 =	simm.s32 $0x18020  }
0x27: {  	[tilespmem:s25+$0xFFFFFFF0] =	vst v0  }
0x28: {  	[tilespmem:s25+$0x0] =	vst v0  }
0x29: {  	[tilespmem:s25+$0x10] =	vst v0  }
0x2a: {  	s23 =	simm.s32 $0x19020;
	[tilespmem:s25+$0xFFFFFFE0] =	vst v0  }
0x2b: {  	[tilespmem:s23+$0xFFFFFFF0] =	vst v0  }
0x2c: {  	[tilespmem:s23+$0x0] =	vst v0  }
0x2d: {  	[tilespmem:s23+$0x10] =	vst v0  }
0x2e: {  	s24 =	simm.s32 $0x1A020;
	[tilespmem:s23+$0xFFFFFFE0] =	vst v0  }
0x2f: {  	[tilespmem:s24+$0xFFFFFFF0] =	vst v0  }
0x30: {  	[tilespmem:s24+$0x0] =	vst v0  }
0x31: {  	[tilespmem:s24+$0x10] =	vst v0  }
0x32: {  	s26 =	simm.s32 $0x18060;
	s25 =	simm.s32 $0x0;
	[tilespmem:s24+$0xFFFFFFE0] =	vst v0  }
.LBB2_2:
0x33: {  	[tilespmem:s26+$0xFFFFFFF0] =	vst v0;
	s23 =	sadd.s32 $0x40, s23  }
0x34: {  	s24 =	sadd.s32 $0x40, s24;
	[tilespmem:s23+$0xFFFFFFF0] =	vst v0  }
0x35: {  	[tilespmem:s24+$0xFFFFFFF0] =	vst v0  }
0x36: {  	[tilespmem:s26+$0x0] =	vst v0  }
0x37: {  	[tilespmem:s23+$0x0] =	vst v0  }
0x38: {  	s25 =	sadd.s32 $0x4, s25;
	[tilespmem:s24+$0x0] =	vst v0  }
0x39: {  	p0 =	slt.u32 s25, $0xFC;
	[tilespmem:s26+$0x10] =	vst v0  }
.Ltmp0:
0x3a: {  	[tilespmem:s23+$0x10] =	vst v0;
	(pc) =	sbr.rel @p0 .LBB2_2-.Ltmp0, $4  }
0x3b: {  	[tilespmem:s24+$0x10] =	vst v0  }
0x3c: {  	[tilespmem:s26+$0xFFFFFFE0] =	vst v0  }
0x3d: {  	[tilespmem:s23+$0xFFFFFFE0] =	vst v0  }
0x3e: {  	s26 =	sadd.s32 $0x40, s26;
	[tilespmem:s24+$0xFFFFFFE0] =	vst v0  }
0x3f: {  	s23 =	simm.s32 $0x0;
	s0 =	rddreg [dreg:$0x6]  }
0x40: {  	[tilespmem:s23], [sflag:$0x3] =	stream.linear.gather [hbm4b:s0+s23], $0x4000, $0x38;
	[tilespmem:$0x1D100] =	vst v63  }
0x41: {  	s24 =	sand.u32 $0x3000, s23;
	s25 =	sand.u32 $0xC00, s23;
	_ =	swait.ge [sflag:s9], $0x4000  }
0x42: {  	s23 =	sand.u32 $0x380, s23;
	s24 =	sor.u32 s25, s24;
	[sflag:s9] =	ssyncset.done $0x0  }
0x43: {  	s23 =	sor.u32 s23, s24;
	[sflag:s9] =	ssyncadd.s32 $0xFFFFC000  }
0x44: {  	v5 =	vld [tilespmem:s23+$0x70]  }
0x45: {  	v6 =	vld [tilespmem:s23+$0x0]  }
0x46: {  	v7 =	vld [tilespmem:s23+$0x10]  }
0x47: {  	v8 =	vld [tilespmem:s23+$0x20]  }
0x48: {  	v9 =	vld [tilespmem:s23+$0x30]  }
0x49: {  	v4 =	vld [tilespmem:s23+$0x40]  }
0x4a: {  	v3 =	vld [tilespmem:s23+$0x50]  }
0x4b: {  	v2 =	vld [tilespmem:s23+$0x60]  }
0x4c: {  	[tilespmem:v5+s10+$0x0] =	vst.idx.add.f32.msk $0xffff, v1  }
0x4d: {  	[tilespmem:v6+s10+$0x0] =	vst.idx.add.f32.msk $0xffff, v1  }
0x4e: {  	[tilespmem:v7+s10+$0x0] =	vst.idx.add.f32.msk $0xffff, v1  }
0x4f: {  	s26 =	simm.s32 $0x80;
	[tilespmem:v8+s10+$0x0] =	vst.idx.add.f32.msk $0xffff, v1  }
0x50: {  	s25 =	simm.s32 $0x400;
	s24 =	simm.s32 $0x20;
	s23 =	simm.s32 $0x0;
	[tilespmem:v9+s10+$0x0] =	vst.idx.add.f32.msk $0xffff, v1  }
.LBB2_4:
0x51: {  	s28 =	sand.u32 $0x3000, s26;
	s29 =	sand.u32 $0xC00, s25;
	s23 =	sadd.s32 $0x8, s23;
	[tilespmem:v4+s10+$0x0] =	vst.idx.add.f32.msk $0xffff, v1  }
0x52: {  	s30 =	sand.u32 $0x380, s24;
	s28 =	sor.u32 s29, s28;
	p0 =	slt.u32 s23, $0x3F8;
	[tilespmem:v3+s10+$0x0] =	vst.idx.add.f32.msk $0xffff, v1  }
0x53: {  	s28 =	sor.u32 s30, s28;
	[tilespmem:v2+s10+$0x0] =	vst.idx.add.f32.msk $0xffff, v1  }
0x54: {  	v5 =	vld [tilespmem:s28+$0x70]  }
0x55: {  	v6 =	vld [tilespmem:s28+$0x0]  }
0x56: {  	v7 =	vld [tilespmem:s28+$0x10]  }
0x57: {  	v8 =	vld [tilespmem:s28+$0x20]  }
0x58: {  	v9 =	vld [tilespmem:s28+$0x30]  }
0x59: {  	v4 =	vld [tilespmem:s28+$0x40]  }
0x5a: {  	v3 =	vld [tilespmem:s28+$0x50]  }
0x5b: {  	v2 =	vld [tilespmem:s28+$0x60]  }
.Ltmp1:
0x5c: {  	[tilespmem:v5+s10+$0x0] =	vst.idx.add.f32.msk $0xffff, v1;
	(pc) =	sbr.rel @p0 .LBB2_4-.Ltmp1, $4  }
0x5d: {  	[tilespmem:v6+s10+$0x0] =	vst.idx.add.f32.msk $0xffff, v1  }
0x5e: {  	[tilespmem:v7+s10+$0x0] =	vst.idx.add.f32.msk $0xffff, v1  }
0x5f: {  	[tilespmem:v8+s10+$0x0] =	vst.idx.add.f32.msk $0xffff, v1  }
0x60: {  	s24 =	sadd.s32 $0x20, s24;
	s25 =	sadd.s32 $0x400, s25;
	s26 =	sadd.s32 $0x80, s26;
	[tilespmem:v9+s10+$0x0] =	vst.idx.add.f32.msk $0xffff, v1  }
0x61: {  	_ =	sdelay $0x3  }
0x62: {  	[tilespmem:v4+s10+$0x0] =	vst.idx.add.f32.msk $0xffff, v1  }
0x63: {  	[tilespmem:v3+s10+$0x0] =	vst.idx.add.f32.msk $0xffff, v1  }
0x64: {  	[tilespmem:v2+s10+$0x0] =	vst.idx.add.f32.msk $0xffff, v1  }
0x65: {  	s0 =	rddreg [dreg:$0x7]  }
0x66: {  	[spmem:s0] =	stream.linear.scatter [tilespmem:s10], [sflag:$0x3], $0x1000, $0x38;
	[tilespmem:$0x1D100] =	vst v63  }
0x67: {  	_ =	swait.ge [sflag:s9], $0x1000  }
0x68: {  	[sflag:s9] =	ssyncset.done $0x0  }
0x69: {  	[sflag:s9] =	ssyncadd.s32 $0xFFFFF000  }
0x6a: {  	s23 =	simm.s32 $0x0;
	[bflag:$0x0] =	sbarrier.arrive $0xFFFF  }
0x6b: {  	[tilespmem:s23], [sflag:$0x1] =	stream.linear.gather [hbm4b:s2+s23], $0x4000, $0x38;
	[tilespmem:$0x1D100] =	vst v63  }
0x6c: {  	s26 =	rddreg [dreg:$0x8]  }
0x6d: {  	[tilespmem:s11], [sflag:$0x1] =	stream.linear.gather [hbm4b:s26+s23], $0x4000, $0x38;
	[tilespmem:$0x1D100] =	vst v63  }
0x6e: {  	s28 =	rddreg [dreg:$0x9]  }
0x6f: {  	[tilespmem:s12], [sflag:$0x1] =	stream.linear.gather [hbm4b:s28+s23], $0x4000, $0x38;
	[tilespmem:$0x1D100] =	vst v63  }
0x70: {  	s29 =	rddreg [dreg:$0xa]  }
0x71: {  	[tilespmem:s14], [sflag:$0x2] =	stream.linear.gather [hbm4b:s29+s23], $0x4000, $0x38;
	[tilespmem:$0x1D100] =	vst v63  }
0x72: {  	s30 =	rddreg [dreg:$0xb]  }
0x73: {  	[tilespmem:s15], [sflag:$0x2] =	stream.linear.gather [hbm4b:s30+s23], $0x4000, $0x38;
	[tilespmem:$0x1D100] =	vst v63  }
0x74: {  	s24 =	simm.s32 $0x0;
	s31 =	rddreg [dreg:$0xc]  }
0x75: {  	[tilespmem:s16], [sflag:$0x2] =	stream.linear.gather [hbm4b:s31+s23], $0x4000, $0x38;
	[tilespmem:$0x1D100] =	vst v63  }
.LBB2_6:
0x76: {  	_ =	swait.ge [sflag:s17], $0x4000  }
0x77: {  	[sflag:s17] =	ssyncset.done $0x0  }
0x78: {  	[sflag:s17] =	ssyncadd.s32 $0xFFFFC000  }
0x79: {  	_ =	swait.ge [sflag:s17], $0x4000  }
0x7a: {  	[sflag:s17] =	ssyncset.done $0x0  }
0x7b: {  	[sflag:s17] =	ssyncadd.s32 $0xFFFFC000  }
0x7c: {  	s25 =	sand.u32 $0x3000, s23;
	s26 =	sand.u32 $0xC00, s23;
	_ =	swait.ge [sflag:s17], $0x4000  }
0x7d: {  	s31 =	sand.u32 $0x380, s23;
	s25 =	sor.u32 s26, s25;
	[sflag:s17] =	ssyncset.done $0x0  }
0x7e: {  	s25 =	sor.u32 s31, s25;
	[sflag:s17] =	ssyncadd.s32 $0xFFFFC000  }
0x7f: {  	v5 =	vld [tilespmem:s25+$0x70]  }
0x80: {  	v8 =	vld [tilespmem:s25+$0x0]  }
0x81: {  	v9 =	vld [tilespmem:s25+$0x10]  }
0x82: {  	v4 =	vld [tilespmem:s25+$0x8070]  }
0x83: {  	v10 =	vld [tilespmem:s25+$0x20]  }
0x84: {  	v11 =	vld [tilespmem:s25+$0x30]  }
0x85: {  	v3 =	vld [tilespmem:s25+$0x40]  }
0x86: {  	v2 =	vld [tilespmem:s25+$0x50]  }
0x87: {  	v7 =	vld [tilespmem:s25+$0x8000]  }
0x88: {  	v12 =	vld [tilespmem:s25+$0x8010]  }
0x89: {  	v13 =	vld [tilespmem:s25+$0x8020]  }
0x8a: {  	v14 =	vld [tilespmem:s25+$0x8050]  }
0x8b: {  	v15 =	vld [tilespmem:s25+$0x8060]  }
0x8c: {  	[tilespmem:v5+s18+$0x0] =	vst.idx.add.f32.msk $0xffff, v4  }
0x8d: {  	v4 =	vld [tilespmem:s25+$0x60]  }
0x8e: {  	[tilespmem:v8+s18+$0x0] =	vst.idx.add.f32.msk $0xffff, v7  }
0x8f: {  	[tilespmem:v9+s18+$0x0] =	vst.idx.add.f32.msk $0xffff, v12  }
0x90: {  	[tilespmem:v10+s18+$0x0] =	vst.idx.add.f32.msk $0xffff, v13  }
0x91: {  	v6 =	vld [tilespmem:s25+$0x10070]  }
0x92: {  	[tilespmem:v2+s18+$0x0] =	vst.idx.add.f32.msk $0xffff, v14  }
0x93: {  	v60 =	vld [tilespmem:s25+$0x10000]  }
0x94: {  	v61 =	vld [tilespmem:s25+$0x10010]  }
0x95: {  	v62 =	vld [tilespmem:s25+$0x10020]  }
0x96: {  	[tilespmem:v5+s19+$0x0] =	vst.idx.add.f32.msk $0xffff, v6  }
0x97: {  	v5 =	vld [tilespmem:s25+$0x8030]  }
0x98: {  	v6 =	vld [tilespmem:s25+$0x8040]  }
0x99: {  	[tilespmem:v8+s19+$0x0] =	vst.idx.add.f32.msk $0xffff, v60  }
0x9a: {  	[tilespmem:v9+s19+$0x0] =	vst.idx.add.f32.msk $0xffff, v61  }
0x9b: {  	[tilespmem:v4+s18+$0x0] =	vst.idx.add.f32.msk $0xffff, v15  }
0x9c: {  	[tilespmem:v11+s18+$0x0] =	vst.idx.add.f32.msk $0xffff, v5  }
0x9d: {  	[tilespmem:v3+s18+$0x0] =	vst.idx.add.f32.msk $0xffff, v6  }
0x9e: {  	v63 =	vld [tilespmem:s25+$0x10030]  }
0x9f: {  	v7 =	vld [tilespmem:s25+$0x10040]  }
0xa0: {  	v6 =	vld [tilespmem:s25+$0x10050]  }
0xa1: {  	v5 =	vld [tilespmem:s25+$0x10060]  }
0xa2: {  	s28 =	simm.s32 $0x400;
	[tilespmem:v10+s19+$0x0] =	vst.idx.add.f32.msk $0xffff, v62  }
0xa3: {  	s29 =	simm.s32 $0x80;
	s26 =	simm.s32 $0x20;
	s25 =	simm.s32 $0x0;
	[tilespmem:v11+s19+$0x0] =	vst.idx.add.f32.msk $0xffff, v63  }
.LBB2_7:
0xa4: {  	s30 =	sand.u32 $0x3000, s29;
	s31 =	sand.u32 $0xC00, s28;
	s25 =	sadd.s32 $0x8, s25;
	[tilespmem:v3+s19+$0x0] =	vst.idx.add.f32.msk $0xffff, v7  }
0xa5: {  	s30 =	sor.u32 s31, s30;
	s31 =	sand.u32 $0x380, s26;
	p0 =	slt.u32 s25, $0x3F8;
	[tilespmem:v2+s19+$0x0] =	vst.idx.add.f32.msk $0xffff, v6  }
0xa6: {  	s30 =	sor.u32 s31, s30;
	[tilespmem:v4+s19+$0x0] =	vst.idx.add.f32.msk $0xffff, v5  }
0xa7: {  	v5 =	vld [tilespmem:s30+$0x70]  }
0xa8: {  	v8 =	vld [tilespmem:s30+$0x0]  }
0xa9: {  	v9 =	vld [tilespmem:s30+$0x10]  }
0xaa: {  	v4 =	vld [tilespmem:s30+$0x8070]  }
0xab: {  	v10 =	vld [tilespmem:s30+$0x20]  }
0xac: {  	v11 =	vld [tilespmem:s30+$0x30]  }
0xad: {  	v3 =	vld [tilespmem:s30+$0x40]  }
0xae: {  	v2 =	vld [tilespmem:s30+$0x50]  }
0xaf: {  	[tilespmem:v5+s18+$0x0] =	vst.idx.add.f32.msk $0xffff, v4  }
0xb0: {  	v6 =	vld [tilespmem:s30+$0x10070]  }
0xb1: {  	v4 =	vld [tilespmem:s30+$0x60]  }
0xb2: {  	v7 =	vld [tilespmem:s30+$0x8000]  }
0xb3: {  	v12 =	vld [tilespmem:s30+$0x8010]  }
0xb4: {  	v13 =	vld [tilespmem:s30+$0x8020]  }
0xb5: {  	[tilespmem:v5+s19+$0x0] =	vst.idx.add.f32.msk $0xffff, v6  }
0xb6: {  	v5 =	vld [tilespmem:s30+$0x8030]  }
0xb7: {  	v6 =	vld [tilespmem:s30+$0x8040]  }
0xb8: {  	v14 =	vld [tilespmem:s30+$0x8050]  }
0xb9: {  	v15 =	vld [tilespmem:s30+$0x8060]  }
0xba: {  	[tilespmem:v8+s18+$0x0] =	vst.idx.add.f32.msk $0xffff, v7  }
0xbb: {  	[tilespmem:v9+s18+$0x0] =	vst.idx.add.f32.msk $0xffff, v12  }
0xbc: {  	[tilespmem:v10+s18+$0x0] =	vst.idx.add.f32.msk $0xffff, v13  }
0xbd: {  	[tilespmem:v11+s18+$0x0] =	vst.idx.add.f32.msk $0xffff, v5  }
0xbe: {  	[tilespmem:v3+s18+$0x0] =	vst.idx.add.f32.msk $0xffff, v6  }
0xbf: {  	[tilespmem:v2+s18+$0x0] =	vst.idx.add.f32.msk $0xffff, v14  }
0xc0: {  	[tilespmem:v4+s18+$0x0] =	vst.idx.add.f32.msk $0xffff, v15  }
0xc1: {  	v12 =	vld [tilespmem:s30+$0x10000]  }
0xc2: {  	v13 =	vld [tilespmem:s30+$0x10010]  }
0xc3: {  	v14 =	vld [tilespmem:s30+$0x10020]  }
0xc4: {  	v15 =	vld [tilespmem:s30+$0x10030]  }
0xc5: {  	v7 =	vld [tilespmem:s30+$0x10040]  }
0xc6: {  	v6 =	vld [tilespmem:s30+$0x10050]  }
.Ltmp2:
0xc7: {  	v5 =	vld [tilespmem:s30+$0x10060];
	(pc) =	sbr.rel @p0 .LBB2_7-.Ltmp2, $4  }
0xc8: {  	[tilespmem:v8+s19+$0x0] =	vst.idx.add.f32.msk $0xffff, v12  }
0xc9: {  	[tilespmem:v9+s19+$0x0] =	vst.idx.add.f32.msk $0xffff, v13  }
0xca: {  	[tilespmem:v10+s19+$0x0] =	vst.idx.add.f32.msk $0xffff, v14  }
0xcb: {  	s28 =	sadd.s32 $0x400, s28;
	s29 =	sadd.s32 $0x80, s29;
	s26 =	sadd.s32 $0x20, s26;
	[tilespmem:v11+s19+$0x0] =	vst.idx.add.f32.msk $0xffff, v15  }
0xcc: {  	_ =	sdelay $0x2  }
0xcd: {  	s25 =	sshll.u32 s24, $0xF  }
0xce: {  	[tilespmem:v3+s19+$0x0] =	vst.idx.add.f32.msk $0xffff, v7;
	s26 =	sadd.s32 $0x8000, s25  }
0xcf: {  	[tilespmem:v2+s19+$0x0] =	vst.idx.add.f32.msk $0xffff, v6;
	s28 =	sshrl.u32 s26, $0x3  }
0xd0: {  	[tilespmem:v4+s19+$0x0] =	vst.idx.add.f32.msk $0xffff, v5;
	s29 =	simm.s32 $0x0;
	s28 =	sadd.s32 s2, s28  }
0xd1: {  	[tilespmem:s29], [sflag:$0x1] =	stream.linear.gather [hbm4b:s28+s29], $0x4000, $0x38;
	[tilespmem:$0x1D100] =	vst v63  }
0xd2: {  	s28 =	sor.u32 s7, s26  }
0xd3: {  	s26 =	sadd.s32 s8, s26;
	s28 =	sshrl.u32 s28, $0x3  }
0xd4: {  	s26 =	sshrl.u32 s26, $0x3;
	s28 =	sadd.s32 s1, s28  }
0xd5: {  	[tilespmem:s11], [sflag:$0x1] =	stream.linear.gather [hbm4b:s28+s29], $0x4000, $0x38;
	[tilespmem:$0x1D100] =	vst v63  }
0xd6: {  	s26 =	sadd.s32 s1, s26  }
0xd7: {  	[tilespmem:s12], [sflag:$0x1] =	stream.linear.gather [hbm4b:s26+s29], $0x4000, $0x38;
	[tilespmem:$0x1D100] =	vst v63  }
0xd8: {  	_ =	swait.ge [sflag:s20], $0x4000  }
0xd9: {  	[sflag:s20] =	ssyncset.done $0x0  }
0xda: {  	[sflag:s20] =	ssyncadd.s32 $0xFFFFC000  }
0xdb: {  	_ =	swait.ge [sflag:s20], $0x4000  }
0xdc: {  	[sflag:s20] =	ssyncset.done $0x0  }
0xdd: {  	[sflag:s20] =	ssyncadd.s32 $0xFFFFC000  }
0xde: {  	s31 =	sand.u32 $0x3000, s29;
	s28 =	sand.u32 $0xC00, s29;
	_ =	swait.ge [sflag:s20], $0x4000  }
0xdf: {  	s26 =	sor.u32 s28, s31;
	s28 =	sand.u32 $0x380, s29;
	[sflag:s20] =	ssyncset.done $0x0  }
0xe0: {  	s26 =	sor.u32 s28, s26;
	[sflag:s20] =	ssyncadd.s32 $0xFFFFC000  }
0xe1: {  	v5 =	vld [tilespmem:s26+$0x4070]  }
0xe2: {  	v8 =	vld [tilespmem:s26+$0x4000]  }
0xe3: {  	v9 =	vld [tilespmem:s26+$0x4010]  }
0xe4: {  	v4 =	vld [tilespmem:s26+$0xC070]  }
0xe5: {  	v10 =	vld [tilespmem:s26+$0x4020]  }
0xe6: {  	v11 =	vld [tilespmem:s26+$0x4030]  }
0xe7: {  	v3 =	vld [tilespmem:s26+$0x4040]  }
0xe8: {  	v2 =	vld [tilespmem:s26+$0x4050]  }
0xe9: {  	v7 =	vld [tilespmem:s26+$0xC000]  }
0xea: {  	v12 =	vld [tilespmem:s26+$0xC010]  }
0xeb: {  	v13 =	vld [tilespmem:s26+$0xC020]  }
0xec: {  	v14 =	vld [tilespmem:s26+$0xC050]  }
0xed: {  	v15 =	vld [tilespmem:s26+$0xC060]  }
0xee: {  	[tilespmem:v5+s18+$0x0] =	vst.idx.add.f32.msk $0xffff, v4  }
0xef: {  	v4 =	vld [tilespmem:s26+$0x4060]  }
0xf0: {  	[tilespmem:v8+s18+$0x0] =	vst.idx.add.f32.msk $0xffff, v7  }
0xf1: {  	[tilespmem:v9+s18+$0x0] =	vst.idx.add.f32.msk $0xffff, v12  }
0xf2: {  	[tilespmem:v10+s18+$0x0] =	vst.idx.add.f32.msk $0xffff, v13  }
0xf3: {  	v6 =	vld [tilespmem:s26+$0x14070]  }
0xf4: {  	[tilespmem:v2+s18+$0x0] =	vst.idx.add.f32.msk $0xffff, v14  }
0xf5: {  	v60 =	vld [tilespmem:s26+$0x14000]  }
0xf6: {  	v61 =	vld [tilespmem:s26+$0x14010]  }
0xf7: {  	v62 =	vld [tilespmem:s26+$0x14020]  }
0xf8: {  	[tilespmem:v5+s19+$0x0] =	vst.idx.add.f32.msk $0xffff, v6  }
0xf9: {  	v5 =	vld [tilespmem:s26+$0xC030]  }
0xfa: {  	v6 =	vld [tilespmem:s26+$0xC040]  }
0xfb: {  	[tilespmem:v8+s19+$0x0] =	vst.idx.add.f32.msk $0xffff, v60  }
0xfc: {  	[tilespmem:v9+s19+$0x0] =	vst.idx.add.f32.msk $0xffff, v61  }
0xfd: {  	[tilespmem:v4+s18+$0x0] =	vst.idx.add.f32.msk $0xffff, v15  }
0xfe: {  	[tilespmem:v11+s18+$0x0] =	vst.idx.add.f32.msk $0xffff, v5  }
0xff: {  	[tilespmem:v3+s18+$0x0] =	vst.idx.add.f32.msk $0xffff, v6  }
0x100: {  	v63 =	vld [tilespmem:s26+$0x14030]  }
0x101: {  	v7 =	vld [tilespmem:s26+$0x14040]  }
0x102: {  	v6 =	vld [tilespmem:s26+$0x14050]  }
0x103: {  	v5 =	vld [tilespmem:s26+$0x14060]  }
0x104: {  	s30 =	simm.s32 $0x80;
	[tilespmem:v10+s19+$0x0] =	vst.idx.add.f32.msk $0xffff, v62  }
0x105: {  	s29 =	simm.s32 $0x400;
	s28 =	simm.s32 $0x20;
	s26 =	simm.s32 $0x0;
	[tilespmem:v11+s19+$0x0] =	vst.idx.add.f32.msk $0xffff, v63  }
.LBB2_9:
0x106: {  	s31 =	sand.u32 $0x3000, s30;
	s0 =	sand.u32 $0xC00, s29;
	s26 =	sadd.s32 $0x8, s26;
	[tilespmem:v3+s19+$0x0] =	vst.idx.add.f32.msk $0xffff, v7  }
0x107: {  	s0 =	sor.u32 s0, s31;
	s31 =	sand.u32 $0x380, s28;
	p0 =	slt.u32 s26, $0x3F8;
	[tilespmem:v2+s19+$0x0] =	vst.idx.add.f32.msk $0xffff, v6  }
0x108: {  	s31 =	sor.u32 s31, s0;
	[tilespmem:v4+s19+$0x0] =	vst.idx.add.f32.msk $0xffff, v5  }
0x109: {  	v5 =	vld [tilespmem:s31+$0x4070]  }
0x10a: {  	v8 =	vld [tilespmem:s31+$0x4000]  }
0x10b: {  	v9 =	vld [tilespmem:s31+$0x4010]  }
0x10c: {  	v4 =	vld [tilespmem:s31+$0xC070]  }
0x10d: {  	v10 =	vld [tilespmem:s31+$0x4020]  }
0x10e: {  	v11 =	vld [tilespmem:s31+$0x4030]  }
0x10f: {  	v3 =	vld [tilespmem:s31+$0x4040]  }
0x110: {  	v2 =	vld [tilespmem:s31+$0x4050]  }
0x111: {  	[tilespmem:v5+s18+$0x0] =	vst.idx.add.f32.msk $0xffff, v4  }
0x112: {  	v6 =	vld [tilespmem:s31+$0x14070]  }
0x113: {  	v4 =	vld [tilespmem:s31+$0x4060]  }
0x114: {  	v7 =	vld [tilespmem:s31+$0xC000]  }
0x115: {  	v12 =	vld [tilespmem:s31+$0xC010]  }
0x116: {  	v13 =	vld [tilespmem:s31+$0xC020]  }
0x117: {  	[tilespmem:v5+s19+$0x0] =	vst.idx.add.f32.msk $0xffff, v6  }
0x118: {  	v5 =	vld [tilespmem:s31+$0xC030]  }
0x119: {  	v6 =	vld [tilespmem:s31+$0xC040]  }
0x11a: {  	v14 =	vld [tilespmem:s31+$0xC050]  }
0x11b: {  	v15 =	vld [tilespmem:s31+$0xC060]  }
0x11c: {  	[tilespmem:v8+s18+$0x0] =	vst.idx.add.f32.msk $0xffff, v7  }
0x11d: {  	[tilespmem:v9+s18+$0x0] =	vst.idx.add.f32.msk $0xffff, v12  }
0x11e: {  	[tilespmem:v10+s18+$0x0] =	vst.idx.add.f32.msk $0xffff, v13  }
0x11f: {  	[tilespmem:v11+s18+$0x0] =	vst.idx.add.f32.msk $0xffff, v5  }
0x120: {  	[tilespmem:v3+s18+$0x0] =	vst.idx.add.f32.msk $0xffff, v6  }
0x121: {  	[tilespmem:v2+s18+$0x0] =	vst.idx.add.f32.msk $0xffff, v14  }
0x122: {  	[tilespmem:v4+s18+$0x0] =	vst.idx.add.f32.msk $0xffff, v15  }
0x123: {  	v12 =	vld [tilespmem:s31+$0x14000]  }
0x124: {  	v13 =	vld [tilespmem:s31+$0x14010]  }
0x125: {  	v14 =	vld [tilespmem:s31+$0x14020]  }
0x126: {  	v15 =	vld [tilespmem:s31+$0x14030]  }
0x127: {  	v7 =	vld [tilespmem:s31+$0x14040]  }
0x128: {  	v6 =	vld [tilespmem:s31+$0x14050]  }
.Ltmp3:
0x129: {  	v5 =	vld [tilespmem:s31+$0x14060];
	(pc) =	sbr.rel @p0 .LBB2_9-.Ltmp3, $4  }
0x12a: {  	[tilespmem:v8+s19+$0x0] =	vst.idx.add.f32.msk $0xffff, v12  }
0x12b: {  	[tilespmem:v9+s19+$0x0] =	vst.idx.add.f32.msk $0xffff, v13  }
0x12c: {  	[tilespmem:v10+s19+$0x0] =	vst.idx.add.f32.msk $0xffff, v14  }
0x12d: {  	s29 =	sadd.s32 $0x400, s29;
	s30 =	sadd.s32 $0x80, s30;
	s28 =	sadd.s32 $0x20, s28;
	[tilespmem:v11+s19+$0x0] =	vst.idx.add.f32.msk $0xffff, v15  }
0x12e: {  	_ =	sdelay $0x3  }
0x12f: {  	[tilespmem:v3+s19+$0x0] =	vst.idx.add.f32.msk $0xffff, v7;
	s0 =	sadd.s32 $0xC000, s25  }
0x130: {  	[tilespmem:v2+s19+$0x0] =	vst.idx.add.f32.msk $0xffff, v6;
	s24 =	sadd.s32 $0x1, s24;
	s25 =	sshrl.u32 s0, $0x3  }
0x131: {  	[tilespmem:v4+s19+$0x0] =	vst.idx.add.f32.msk $0xffff, v5;
	s31 =	sor.u32 s7, s0;
	p0 =	sne.s32 s24, $0x7;
	s25 =	sadd.s32 s2, s25  }
0x132: {  	[tilespmem:s14], [sflag:$0x2] =	stream.linear.gather [hbm4b:s25+s5], $0x4000, $0x38;
	[tilespmem:$0x1D100] =	vst v63  }
.Ltmp4:
0x133: {  	s0 =	sadd.s32 s8, s0;
	s25 =	sshrl.u32 s31, $0x3;
	(pc) =	sbr.rel @p0 .LBB2_6-.Ltmp4, $4  }
0x134: {  	s0 =	sshrl.u32 s0, $0x3;
	s25 =	sadd.s32 s1, s25  }
0x135: {  	[tilespmem:s15], [sflag:$0x2] =	stream.linear.gather [hbm4b:s25+s5], $0x4000, $0x38;
	[tilespmem:$0x1D100] =	vst v63  }
0x136: {  	s0 =	sadd.s32 s1, s0  }
0x137: {  	[tilespmem:s16], [sflag:$0x2] =	stream.linear.gather [hbm4b:s0+s5], $0x4000, $0x38;
	[tilespmem:$0x1D100] =	vst v63  }
0x138: {  	_ =	swait.ge [sflag:s17], $0x4000  }
0x139: {  	[sflag:s17] =	ssyncset.done $0x0  }
0x13a: {  	[sflag:s17] =	ssyncadd.s32 $0xFFFFC000  }
0x13b: {  	_ =	swait.ge [sflag:s17], $0x4000  }
0x13c: {  	[sflag:s17] =	ssyncset.done $0x0  }
0x13d: {  	s0 =	simm.s32 $0x0;
	[sflag:s17] =	ssyncadd.s32 $0xFFFFC000  }
0x13e: {  	s23 =	sand.u32 $0x3000, s0;
	s24 =	sand.u32 $0xC00, s0;
	_ =	swait.ge [sflag:s17], $0x4000  }
0x13f: {  	s0 =	sand.u32 $0x380, s0;
	s23 =	sor.u32 s24, s23;
	[sflag:s17] =	ssyncset.done $0x0  }
0x140: {  	s0 =	sor.u32 s0, s23;
	[sflag:s17] =	ssyncadd.s32 $0xFFFFC000  }
0x141: {  	v5 =	vld [tilespmem:s0+$0x70]  }
0x142: {  	v8 =	vld [tilespmem:s0+$0x0]  }
0x143: {  	v9 =	vld [tilespmem:s0+$0x10]  }
0x144: {  	v4 =	vld [tilespmem:s0+$0x8070]  }
0x145: {  	v10 =	vld [tilespmem:s0+$0x20]  }
0x146: {  	v11 =	vld [tilespmem:s0+$0x30]  }
0x147: {  	v3 =	vld [tilespmem:s0+$0x40]  }
0x148: {  	v2 =	vld [tilespmem:s0+$0x50]  }
0x149: {  	v7 =	vld [tilespmem:s0+$0x8000]  }
0x14a: {  	v12 =	vld [tilespmem:s0+$0x8010]  }
0x14b: {  	v13 =	vld [tilespmem:s0+$0x8020]  }
0x14c: {  	v14 =	vld [tilespmem:s0+$0x8050]  }
0x14d: {  	v15 =	vld [tilespmem:s0+$0x8060]  }
0x14e: {  	[tilespmem:v5+s18+$0x0] =	vst.idx.add.f32.msk $0xffff, v4  }
0x14f: {  	v4 =	vld [tilespmem:s0+$0x60]  }
0x150: {  	[tilespmem:v8+s18+$0x0] =	vst.idx.add.f32.msk $0xffff, v7  }
0x151: {  	[tilespmem:v9+s18+$0x0] =	vst.idx.add.f32.msk $0xffff, v12  }
0x152: {  	[tilespmem:v10+s18+$0x0] =	vst.idx.add.f32.msk $0xffff, v13  }
0x153: {  	v6 =	vld [tilespmem:s0+$0x10070]  }
0x154: {  	[tilespmem:v2+s18+$0x0] =	vst.idx.add.f32.msk $0xffff, v14  }
0x155: {  	v60 =	vld [tilespmem:s0+$0x10000]  }
0x156: {  	v61 =	vld [tilespmem:s0+$0x10010]  }
0x157: {  	v62 =	vld [tilespmem:s0+$0x10020]  }
0x158: {  	[tilespmem:v5+s19+$0x0] =	vst.idx.add.f32.msk $0xffff, v6  }
0x159: {  	v5 =	vld [tilespmem:s0+$0x8030]  }
0x15a: {  	v6 =	vld [tilespmem:s0+$0x8040]  }
0x15b: {  	[tilespmem:v8+s19+$0x0] =	vst.idx.add.f32.msk $0xffff, v60  }
0x15c: {  	[tilespmem:v9+s19+$0x0] =	vst.idx.add.f32.msk $0xffff, v61  }
0x15d: {  	[tilespmem:v4+s18+$0x0] =	vst.idx.add.f32.msk $0xffff, v15  }
0x15e: {  	[tilespmem:v11+s18+$0x0] =	vst.idx.add.f32.msk $0xffff, v5  }
0x15f: {  	[tilespmem:v3+s18+$0x0] =	vst.idx.add.f32.msk $0xffff, v6  }
0x160: {  	v63 =	vld [tilespmem:s0+$0x10030]  }
0x161: {  	v7 =	vld [tilespmem:s0+$0x10040]  }
0x162: {  	v6 =	vld [tilespmem:s0+$0x10050]  }
0x163: {  	v5 =	vld [tilespmem:s0+$0x10060]  }
0x164: {  	s25 =	simm.s32 $0x400;
	[tilespmem:v10+s19+$0x0] =	vst.idx.add.f32.msk $0xffff, v62  }
0x165: {  	s26 =	simm.s32 $0x80;
	s24 =	simm.s32 $0x20;
	s23 =	simm.s32 $0x0;
	[tilespmem:v11+s19+$0x0] =	vst.idx.add.f32.msk $0xffff, v63  }
.LBB2_12:
0x166: {  	s0 =	sand.u32 $0x3000, s26;
	s28 =	sand.u32 $0xC00, s25;
	s23 =	sadd.s32 $0x8, s23;
	[tilespmem:v3+s19+$0x0] =	vst.idx.add.f32.msk $0xffff, v7  }
0x167: {  	s0 =	sor.u32 s28, s0;
	s28 =	sand.u32 $0x380, s24;
	p0 =	slt.u32 s23, $0x3F8;
	[tilespmem:v2+s19+$0x0] =	vst.idx.add.f32.msk $0xffff, v6  }
0x168: {  	s28 =	sor.u32 s28, s0;
	[tilespmem:v4+s19+$0x0] =	vst.idx.add.f32.msk $0xffff, v5  }
0x169: {  	v5 =	vld [tilespmem:s28+$0x70]  }
0x16a: {  	v8 =	vld [tilespmem:s28+$0x0]  }
0x16b: {  	v9 =	vld [tilespmem:s28+$0x10]  }
0x16c: {  	v4 =	vld [tilespmem:s28+$0x8070]  }
0x16d: {  	v10 =	vld [tilespmem:s28+$0x20]  }
0x16e: {  	v11 =	vld [tilespmem:s28+$0x30]  }
0x16f: {  	v3 =	vld [tilespmem:s28+$0x40]  }
0x170: {  	v2 =	vld [tilespmem:s28+$0x50]  }
0x171: {  	[tilespmem:v5+s18+$0x0] =	vst.idx.add.f32.msk $0xffff, v4  }
0x172: {  	v6 =	vld [tilespmem:s28+$0x10070]  }
0x173: {  	v4 =	vld [tilespmem:s28+$0x60]  }
0x174: {  	v7 =	vld [tilespmem:s28+$0x8000]  }
0x175: {  	v12 =	vld [tilespmem:s28+$0x8010]  }
0x176: {  	v13 =	vld [tilespmem:s28+$0x8020]  }
0x177: {  	[tilespmem:v5+s19+$0x0] =	vst.idx.add.f32.msk $0xffff, v6  }
0x178: {  	v5 =	vld [tilespmem:s28+$0x8030]  }
0x179: {  	v6 =	vld [tilespmem:s28+$0x8040]  }
0x17a: {  	v14 =	vld [tilespmem:s28+$0x8050]  }
0x17b: {  	v15 =	vld [tilespmem:s28+$0x8060]  }
0x17c: {  	[tilespmem:v8+s18+$0x0] =	vst.idx.add.f32.msk $0xffff, v7  }
0x17d: {  	[tilespmem:v9+s18+$0x0] =	vst.idx.add.f32.msk $0xffff, v12  }
0x17e: {  	[tilespmem:v10+s18+$0x0] =	vst.idx.add.f32.msk $0xffff, v13  }
0x17f: {  	[tilespmem:v11+s18+$0x0] =	vst.idx.add.f32.msk $0xffff, v5  }
0x180: {  	[tilespmem:v3+s18+$0x0] =	vst.idx.add.f32.msk $0xffff, v6  }
0x181: {  	[tilespmem:v2+s18+$0x0] =	vst.idx.add.f32.msk $0xffff, v14  }
0x182: {  	[tilespmem:v4+s18+$0x0] =	vst.idx.add.f32.msk $0xffff, v15  }
0x183: {  	v12 =	vld [tilespmem:s28+$0x10000]  }
0x184: {  	v13 =	vld [tilespmem:s28+$0x10010]  }
0x185: {  	v14 =	vld [tilespmem:s28+$0x10020]  }
0x186: {  	v15 =	vld [tilespmem:s28+$0x10030]  }
0x187: {  	v7 =	vld [tilespmem:s28+$0x10040]  }
0x188: {  	v6 =	vld [tilespmem:s28+$0x10050]  }
.Ltmp5:
0x189: {  	v5 =	vld [tilespmem:s28+$0x10060];
	(pc) =	sbr.rel @p0 .LBB2_12-.Ltmp5, $4  }
0x18a: {  	[tilespmem:v8+s19+$0x0] =	vst.idx.add.f32.msk $0xffff, v12  }
0x18b: {  	[tilespmem:v9+s19+$0x0] =	vst.idx.add.f32.msk $0xffff, v13  }
0x18c: {  	[tilespmem:v10+s19+$0x0] =	vst.idx.add.f32.msk $0xffff, v14  }
0x18d: {  	s25 =	sadd.s32 $0x400, s25;
	s26 =	sadd.s32 $0x80, s26;
	s24 =	sadd.s32 $0x20, s24;
	[tilespmem:v11+s19+$0x0] =	vst.idx.add.f32.msk $0xffff, v15  }
0x18e: {  	_ =	sdelay $0x3  }
0x18f: {  	[tilespmem:v3+s19+$0x0] =	vst.idx.add.f32.msk $0xffff, v7  }
0x190: {  	[tilespmem:v2+s19+$0x0] =	vst.idx.add.f32.msk $0xffff, v6  }
0x191: {  	[tilespmem:v4+s19+$0x0] =	vst.idx.add.f32.msk $0xffff, v5  }
0x192: {  	_ =	swait.ge [sflag:s20], $0x4000  }
0x193: {  	[sflag:s20] =	ssyncset.done $0x0  }
0x194: {  	[sflag:s20] =	ssyncadd.s32 $0xFFFFC000  }
0x195: {  	_ =	swait.ge [sflag:s20], $0x4000  }
0x196: {  	[sflag:s20] =	ssyncset.done $0x0  }
0x197: {  	s0 =	simm.s32 $0x0;
	[sflag:s20] =	ssyncadd.s32 $0xFFFFC000  }
0x198: {  	s23 =	sand.u32 $0x3000, s0;
	s24 =	sand.u32 $0xC00, s0;
	_ =	swait.ge [sflag:s20], $0x4000  }
0x199: {  	s0 =	sand.u32 $0x380, s0;
	s23 =	sor.u32 s24, s23;
	[sflag:s20] =	ssyncset.done $0x0  }
0x19a: {  	s0 =	sor.u32 s0, s23;
	[sflag:s20] =	ssyncadd.s32 $0xFFFFC000  }
0x19b: {  	v5 =	vld [tilespmem:s0+$0x4070]  }
0x19c: {  	v8 =	vld [tilespmem:s0+$0x4000]  }
0x19d: {  	v9 =	vld [tilespmem:s0+$0x4010]  }
0x19e: {  	v4 =	vld [tilespmem:s0+$0xC070]  }
0x19f: {  	v10 =	vld [tilespmem:s0+$0x4020]  }
0x1a0: {  	v11 =	vld [tilespmem:s0+$0x4030]  }
0x1a1: {  	v3 =	vld [tilespmem:s0+$0x4040]  }
0x1a2: {  	v2 =	vld [tilespmem:s0+$0x4050]  }
0x1a3: {  	v7 =	vld [tilespmem:s0+$0xC000]  }
0x1a4: {  	v12 =	vld [tilespmem:s0+$0xC010]  }
0x1a5: {  	v13 =	vld [tilespmem:s0+$0xC020]  }
0x1a6: {  	v14 =	vld [tilespmem:s0+$0xC050]  }
0x1a7: {  	v15 =	vld [tilespmem:s0+$0xC060]  }
0x1a8: {  	[tilespmem:v5+s18+$0x0] =	vst.idx.add.f32.msk $0xffff, v4  }
0x1a9: {  	v4 =	vld [tilespmem:s0+$0x4060]  }
0x1aa: {  	[tilespmem:v8+s18+$0x0] =	vst.idx.add.f32.msk $0xffff, v7  }
0x1ab: {  	[tilespmem:v9+s18+$0x0] =	vst.idx.add.f32.msk $0xffff, v12  }
0x1ac: {  	[tilespmem:v10+s18+$0x0] =	vst.idx.add.f32.msk $0xffff, v13  }
0x1ad: {  	v6 =	vld [tilespmem:s0+$0x14070]  }
0x1ae: {  	[tilespmem:v2+s18+$0x0] =	vst.idx.add.f32.msk $0xffff, v14  }
0x1af: {  	v60 =	vld [tilespmem:s0+$0x14000]  }
0x1b0: {  	v61 =	vld [tilespmem:s0+$0x14010]  }
0x1b1: {  	v62 =	vld [tilespmem:s0+$0x14020]  }
0x1b2: {  	[tilespmem:v5+s19+$0x0] =	vst.idx.add.f32.msk $0xffff, v6  }
0x1b3: {  	v5 =	vld [tilespmem:s0+$0xC030]  }
0x1b4: {  	v6 =	vld [tilespmem:s0+$0xC040]  }
0x1b5: {  	[tilespmem:v8+s19+$0x0] =	vst.idx.add.f32.msk $0xffff, v60  }
0x1b6: {  	[tilespmem:v9+s19+$0x0] =	vst.idx.add.f32.msk $0xffff, v61  }
0x1b7: {  	[tilespmem:v4+s18+$0x0] =	vst.idx.add.f32.msk $0xffff, v15  }
0x1b8: {  	[tilespmem:v11+s18+$0x0] =	vst.idx.add.f32.msk $0xffff, v5  }
0x1b9: {  	[tilespmem:v3+s18+$0x0] =	vst.idx.add.f32.msk $0xffff, v6  }
0x1ba: {  	v63 =	vld [tilespmem:s0+$0x14030]  }
0x1bb: {  	v7 =	vld [tilespmem:s0+$0x14040]  }
0x1bc: {  	v6 =	vld [tilespmem:s0+$0x14050]  }
0x1bd: {  	v5 =	vld [tilespmem:s0+$0x14060]  }
0x1be: {  	s25 =	simm.s32 $0x400;
	[tilespmem:v10+s19+$0x0] =	vst.idx.add.f32.msk $0xffff, v62  }
0x1bf: {  	s26 =	simm.s32 $0x80;
	s24 =	simm.s32 $0x20;
	s23 =	simm.s32 $0x0;
	[tilespmem:v11+s19+$0x0] =	vst.idx.add.f32.msk $0xffff, v63  }
.LBB2_14:
0x1c0: {  	s0 =	sand.u32 $0x3000, s26;
	s28 =	sand.u32 $0xC00, s25;
	s23 =	sadd.s32 $0x8, s23;
	[tilespmem:v3+s19+$0x0] =	vst.idx.add.f32.msk $0xffff, v7  }
0x1c1: {  	s0 =	sor.u32 s28, s0;
	s28 =	sand.u32 $0x380, s24;
	p0 =	slt.u32 s23, $0x3F8;
	[tilespmem:v2+s19+$0x0] =	vst.idx.add.f32.msk $0xffff, v6  }
0x1c2: {  	s28 =	sor.u32 s28, s0;
	[tilespmem:v4+s19+$0x0] =	vst.idx.add.f32.msk $0xffff, v5  }
0x1c3: {  	v5 =	vld [tilespmem:s28+$0x4070]  }
0x1c4: {  	v8 =	vld [tilespmem:s28+$0x4000]  }
0x1c5: {  	v9 =	vld [tilespmem:s28+$0x4010]  }
0x1c6: {  	v4 =	vld [tilespmem:s28+$0xC070]  }
0x1c7: {  	v10 =	vld [tilespmem:s28+$0x4020]  }
0x1c8: {  	v11 =	vld [tilespmem:s28+$0x4030]  }
0x1c9: {  	v3 =	vld [tilespmem:s28+$0x4040]  }
0x1ca: {  	v2 =	vld [tilespmem:s28+$0x4050]  }
0x1cb: {  	[tilespmem:v5+s18+$0x0] =	vst.idx.add.f32.msk $0xffff, v4  }
0x1cc: {  	v6 =	vld [tilespmem:s28+$0x14070]  }
0x1cd: {  	v4 =	vld [tilespmem:s28+$0x4060]  }
0x1ce: {  	v7 =	vld [tilespmem:s28+$0xC000]  }
0x1cf: {  	v12 =	vld [tilespmem:s28+$0xC010]  }
0x1d0: {  	v13 =	vld [tilespmem:s28+$0xC020]  }
0x1d1: {  	[tilespmem:v5+s19+$0x0] =	vst.idx.add.f32.msk $0xffff, v6  }
0x1d2: {  	v5 =	vld [tilespmem:s28+$0xC030]  }
0x1d3: {  	v6 =	vld [tilespmem:s28+$0xC040]  }
0x1d4: {  	v14 =	vld [tilespmem:s28+$0xC050]  }
0x1d5: {  	v15 =	vld [tilespmem:s28+$0xC060]  }
0x1d6: {  	[tilespmem:v8+s18+$0x0] =	vst.idx.add.f32.msk $0xffff, v7  }
0x1d7: {  	[tilespmem:v9+s18+$0x0] =	vst.idx.add.f32.msk $0xffff, v12  }
0x1d8: {  	[tilespmem:v10+s18+$0x0] =	vst.idx.add.f32.msk $0xffff, v13  }
0x1d9: {  	[tilespmem:v11+s18+$0x0] =	vst.idx.add.f32.msk $0xffff, v5  }
0x1da: {  	[tilespmem:v3+s18+$0x0] =	vst.idx.add.f32.msk $0xffff, v6  }
0x1db: {  	[tilespmem:v2+s18+$0x0] =	vst.idx.add.f32.msk $0xffff, v14  }
0x1dc: {  	[tilespmem:v4+s18+$0x0] =	vst.idx.add.f32.msk $0xffff, v15  }
0x1dd: {  	v12 =	vld [tilespmem:s28+$0x14000]  }
0x1de: {  	v13 =	vld [tilespmem:s28+$0x14010]  }
0x1df: {  	v14 =	vld [tilespmem:s28+$0x14020]  }
0x1e0: {  	v15 =	vld [tilespmem:s28+$0x14030]  }
0x1e1: {  	v7 =	vld [tilespmem:s28+$0x14040]  }
0x1e2: {  	v6 =	vld [tilespmem:s28+$0x14050]  }
.Ltmp6:
0x1e3: {  	v5 =	vld [tilespmem:s28+$0x14060];
	(pc) =	sbr.rel @p0 .LBB2_14-.Ltmp6, $4  }
0x1e4: {  	[tilespmem:v8+s19+$0x0] =	vst.idx.add.f32.msk $0xffff, v12  }
0x1e5: {  	[tilespmem:v9+s19+$0x0] =	vst.idx.add.f32.msk $0xffff, v13  }
0x1e6: {  	[tilespmem:v10+s19+$0x0] =	vst.idx.add.f32.msk $0xffff, v14  }
0x1e7: {  	s25 =	sadd.s32 $0x400, s25;
	s26 =	sadd.s32 $0x80, s26;
	s24 =	sadd.s32 $0x20, s24;
	[tilespmem:v11+s19+$0x0] =	vst.idx.add.f32.msk $0xffff, v15  }
0x1e8: {  	_ =	sdelay $0x3  }
0x1e9: {  	[tilespmem:v3+s19+$0x0] =	vst.idx.add.f32.msk $0xffff, v7  }
0x1ea: {  	[tilespmem:v2+s19+$0x0] =	vst.idx.add.f32.msk $0xffff, v6  }
0x1eb: {  	[tilespmem:v4+s19+$0x0] =	vst.idx.add.f32.msk $0xffff, v5  }
0x1ec: {  	[tilespmem:s21], [sflag:$0x3] =	stream.linear.gather [spmem:s13], $0x100, $0x38;
	[tilespmem:$0x1D100] =	vst v63  }
0x1ed: {  	_ =	swait.ge [sflag:s9], $0x100  }
0x1ee: {  	[sflag:s9] =	ssyncset.done $0x0  }
0x1ef: {  	s23 =	simm.s32 $0x1B100;
	s0 =	rddreg [dreg:$0xd];
	[sflag:s9] =	ssyncadd.s32 $0xFFFFFF00  }
0x1f0: {  	[tilespmem:s23], [sflag:$0x3] =	stream.linear.gather [spmem:s0], $0x100, $0x38;
	[tilespmem:$0x1D100] =	vst v63  }
0x1f1: {  	_ =	swait.ge [sflag:s9], $0x100  }
0x1f2: {  	[sflag:s9] =	ssyncset.done $0x0  }
0x1f3: {  	s31 =	simm.s32 $0x1B200;
	s30 =	rddreg [dreg:$0xe];
	[sflag:s9] =	ssyncadd.s32 $0xFFFFFF00  }
0x1f4: {  	[tilespmem:s31], [sflag:$0x3] =	stream.linear.gather [spmem:s30], $0x100, $0x38;
	[tilespmem:$0x1D100] =	vst v63  }
0x1f5: {  	_ =	swait.ge [sflag:s9], $0x100  }
0x1f6: {  	[sflag:s9] =	ssyncset.done $0x0  }
0x1f7: {  	s24 =	simm.s32 $0x1B300;
	s23 =	rddreg [dreg:$0xf];
	[sflag:s9] =	ssyncadd.s32 $0xFFFFFF00  }
0x1f8: {  	[tilespmem:s24], [sflag:$0x3] =	stream.linear.gather [spmem:s23], $0x100, $0x38;
	[tilespmem:$0x1D100] =	vst v63  }
0x1f9: {  	_ =	swait.ge [sflag:s9], $0x100  }
0x1fa: {  	[sflag:s9] =	ssyncset.done $0x0  }
0x1fb: {  	s26 =	simm.s32 $0x1B400;
	s25 =	rddreg [dreg:$0x10];
	[sflag:s9] =	ssyncadd.s32 $0xFFFFFF00  }
0x1fc: {  	[tilespmem:s26], [sflag:$0x3] =	stream.linear.gather [spmem:s25], $0x100, $0x38;
	[tilespmem:$0x1D100] =	vst v63  }
0x1fd: {  	_ =	swait.ge [sflag:s9], $0x100  }
0x1fe: {  	[sflag:s9] =	ssyncset.done $0x0  }
0x1ff: {  	s29 =	simm.s32 $0x1B500;
	s28 =	rddreg [dreg:$0x11];
	[sflag:s9] =	ssyncadd.s32 $0xFFFFFF00  }
0x200: {  	[tilespmem:s29], [sflag:$0x3] =	stream.linear.gather [spmem:s28], $0x100, $0x38;
	[tilespmem:$0x1D100] =	vst v63  }
0x201: {  	_ =	swait.ge [sflag:s9], $0x100  }
0x202: {  	[sflag:s9] =	ssyncset.done $0x0  }
0x203: {  	s31 =	simm.s32 $0x1B600;
	s30 =	rddreg [dreg:$0x14];
	[sflag:s9] =	ssyncadd.s32 $0xFFFFFF00  }
0x204: {  	[tilespmem:s31], [sflag:$0x3] =	stream.linear.gather [spmem:s30], $0x100, $0x38;
	[tilespmem:$0x1D100] =	vst v63  }
0x205: {  	_ =	swait.ge [sflag:s9], $0x100  }
0x206: {  	[sflag:s9] =	ssyncset.done $0x0  }
0x207: {  	s24 =	simm.s32 $0x1B700;
	s23 =	rddreg [dreg:$0x17];
	[sflag:s9] =	ssyncadd.s32 $0xFFFFFF00  }
0x208: {  	[tilespmem:s24], [sflag:$0x3] =	stream.linear.gather [spmem:s23], $0x100, $0x38;
	[tilespmem:$0x1D100] =	vst v63  }
0x209: {  	_ =	swait.ge [sflag:s9], $0x100  }
0x20a: {  	[sflag:s9] =	ssyncset.done $0x0  }
0x20b: {  	s26 =	simm.s32 $0x1B800;
	s25 =	rddreg [dreg:$0x18];
	[sflag:s9] =	ssyncadd.s32 $0xFFFFFF00  }
0x20c: {  	[tilespmem:s26], [sflag:$0x3] =	stream.linear.gather [spmem:s25], $0x100, $0x38;
	[tilespmem:$0x1D100] =	vst v63  }
0x20d: {  	_ =	swait.ge [sflag:s9], $0x100  }
0x20e: {  	[sflag:s9] =	ssyncset.done $0x0  }
0x20f: {  	s29 =	simm.s32 $0x1B900;
	s28 =	rddreg [dreg:$0x19];
	[sflag:s9] =	ssyncadd.s32 $0xFFFFFF00  }
0x210: {  	[tilespmem:s29], [sflag:$0x3] =	stream.linear.gather [spmem:s28], $0x100, $0x38;
	[tilespmem:$0x1D100] =	vst v63  }
0x211: {  	_ =	swait.ge [sflag:s9], $0x100  }
0x212: {  	[sflag:s9] =	ssyncset.done $0x0  }
0x213: {  	s31 =	simm.s32 $0x1BA00;
	s30 =	rddreg [dreg:$0x1a];
	[sflag:s9] =	ssyncadd.s32 $0xFFFFFF00  }
0x214: {  	[tilespmem:s31], [sflag:$0x3] =	stream.linear.gather [spmem:s30], $0x100, $0x38;
	[tilespmem:$0x1D100] =	vst v63  }
0x215: {  	_ =	swait.ge [sflag:s9], $0x100  }
0x216: {  	[sflag:s9] =	ssyncset.done $0x0  }
0x217: {  	s24 =	simm.s32 $0x1BB00;
	s23 =	rddreg [dreg:$0x1b];
	[sflag:s9] =	ssyncadd.s32 $0xFFFFFF00  }
0x218: {  	[tilespmem:s24], [sflag:$0x3] =	stream.linear.gather [spmem:s23], $0x100, $0x38;
	[tilespmem:$0x1D100] =	vst v63  }
0x219: {  	_ =	swait.ge [sflag:s9], $0x100  }
0x21a: {  	[sflag:s9] =	ssyncset.done $0x0  }
0x21b: {  	s26 =	simm.s32 $0x1BC00;
	s25 =	rddreg [dreg:$0x1c];
	[sflag:s9] =	ssyncadd.s32 $0xFFFFFF00  }
0x21c: {  	[tilespmem:s26], [sflag:$0x3] =	stream.linear.gather [spmem:s25], $0x100, $0x38;
	[tilespmem:$0x1D100] =	vst v63  }
0x21d: {  	_ =	swait.ge [sflag:s9], $0x100  }
0x21e: {  	[sflag:s9] =	ssyncset.done $0x0  }
0x21f: {  	s28 =	simm.s32 $0x1BD00;
	[sflag:s9] =	ssyncadd.s32 $0xFFFFFF00  }
0x220: {  	[tilespmem:s28], [sflag:$0x3] =	stream.linear.gather [spmem:s4], $0x100, $0x38;
	[tilespmem:$0x1D100] =	vst v63  }
0x221: {  	_ =	swait.ge [sflag:s9], $0x100  }
0x222: {  	[sflag:s9] =	ssyncset.done $0x0  }
0x223: {  	s29 =	simm.s32 $0x1BE00;
	[sflag:s9] =	ssyncadd.s32 $0xFFFFFF00  }
0x224: {  	[tilespmem:s29], [sflag:$0x3] =	stream.linear.gather [spmem:s3], $0x100, $0x38;
	[tilespmem:$0x1D100] =	vst v63  }
0x225: {  	_ =	swait.ge [sflag:s9], $0x100  }
0x226: {  	[sflag:s9] =	ssyncset.done $0x0  }
0x227: {  	s30 =	simm.s32 $0x1BF00;
	[sflag:s9] =	ssyncadd.s32 $0xFFFFFF00  }
0x228: {  	[tilespmem:s30], [sflag:$0x3] =	stream.linear.gather [spmem:s6], $0x100, $0x38;
	[tilespmem:$0x1D100] =	vst v63  }
0x229: {  	_ =	swait.ge [sflag:s9], $0x100  }
0x22a: {  	[sflag:s9] =	ssyncset.done $0x0  }
0x22b: {  	s31 =	simm.s32 $0x0;
	s23 =	simm.s32 $0x1B810;
	[sflag:s9] =	ssyncadd.s32 $0xFFFFFF00  }
0x22c: {  	s0 =	sand.u32 $0xC0, s31;
	v2 =	vld [tilespmem:s23+$0xFFFFF7F0]  }
0x22d: {  	v3 =	vld [tilespmem:s0+$0x1B100]  }
0x22e: {  	v4 =	vld [tilespmem:s23+$0xFFFFF800]  }
0x22f: {  	v5 =	vld [tilespmem:s0+$0x1B200]  }
0x230: {  	v6 =	vld [tilespmem:s23+$0xFFFFF900]  }
0x231: {  	v7 =	vld [tilespmem:s0+$0x1B300]  }
0x232: {  	v8 =	vld [tilespmem:s23+$0xFFFFF810]  }
0x233: {  	v9 =	vld [tilespmem:s0+$0x1B400]  }
0x234: {  	v10 =	vld [tilespmem:s23+$0xFFFFF910]  }
0x235: {  	v11 =	vld [tilespmem:s0+$0x1B500]  }
0x236: {  	v12 =	vld [tilespmem:s23+$0xFFFFF820]  }
0x237: {  	v13 =	vld [tilespmem:s0+$0x1B600]  }
0x238: {  	v14 =	vld [tilespmem:s23+$0xFFFFF920]  }
0x239: {  	v15 =	vld [tilespmem:s0+$0x1B700]  }
0x23a: {  	v16 =	vld [tilespmem:s23+$0xFFFFFA00]  }
0x23b: {  	v17 =	vld [tilespmem:s0+$0x1B800]  }
0x23c: {  	v18 =	vld [tilespmem:s23+$0xFFFFFA10]  }
0x23d: {  	v19 =	vld [tilespmem:s0+$0x1B900]  }
0x23e: {  	v20 =	vld [tilespmem:s23+$0xFFFFFA20]  }
0x23f: {  	v21 =	vld [tilespmem:s0+$0x1BA00]  }
0x240: {  	v22 =	vld [tilespmem:s23+$0xFFFFFB00]  }
0x241: {  	v23 =	vld [tilespmem:s0+$0x1BB00]  }
0x242: {  	v24 =	vld [tilespmem:s0+$0x1BC00];
	v2 =	vadd.f32 v3, v2  }
0x243: {  	v25 =	vld [tilespmem:s0+$0x1BD00]  }
0x244: {  	v26 =	vld [tilespmem:s0+$0x1BE00];
	v2 =	vadd.f32 v5, v2  }
0x245: {  	v27 =	vld [tilespmem:s0+$0x1BF00]  }
0x246: {  	v28 =	vld [tilespmem:s23+$0xFFFFFD00];
	v2 =	vadd.f32 v7, v2  }
0x247: {  	v52 =	vld [tilespmem:s23+$0xFFFFFD10]  }
0x248: {  	v29 =	vld [tilespmem:s23+$0xFFFFFD20];
	v2 =	vadd.f32 v9, v2  }
0x249: {  	v53 =	vld [tilespmem:s23+$0xFFFFFE00]  }
0x24a: {  	v30 =	vld [tilespmem:s23+$0xFFFFFE10];
	v2 =	vadd.f32 v11, v2  }
0x24b: {  	v54 =	vld [tilespmem:s23+$0xFFFFFE20]  }
0x24c: {  	v55 =	vld [tilespmem:s23+$0xFFFFFF20];
	v2 =	vadd.f32 v13, v2  }
0x24d: {  	v56 =	vld [tilespmem:s23+$0x0]  }
0x24e: {  	v57 =	vld [tilespmem:s23+$0x10];
	v2 =	vadd.f32 v15, v2  }
0x24f: {  	v58 =	vld [tilespmem:s23+$0x200]  }
0x250: {  	v3 =	vld [tilespmem:s23+$0xFFFFFB10];
	v2 =	vadd.f32 v17, v2  }
0x251: {  	v4 =	vadd.f32 v6, v4;
	v5 =	vld [tilespmem:s23+$0xFFFFFB20]  }
0x252: {  	v8 =	vadd.f32 v10, v8;
	v7 =	vld [tilespmem:s23+$0xFFFFFC00];
	v2 =	vadd.f32 v19, v2  }
0x253: {  	v12 =	vadd.f32 v14, v12;
	v4 =	vadd.f32 v16, v4;
	v9 =	vld [tilespmem:s23+$0xFFFFFC10]  }
0x254: {  	v8 =	vadd.f32 v18, v8;
	v11 =	vld [tilespmem:s23+$0xFFFFFC20];
	v2 =	vadd.f32 v21, v2  }
0x255: {  	v59 =	vld [tilespmem:s23+$0x210];
	v12 =	vadd.f32 v20, v12;
	v4 =	vadd.f32 v22, v4  }
0x256: {  	v60 =	vld [tilespmem:s23+$0x220];
	v3 =	vadd.f32 v3, v8;
	v2 =	vadd.f32 v23, v2  }
0x257: {  	v61 =	vld [tilespmem:s23+$0x320];
	v5 =	vadd.f32 v5, v12;
	v4 =	vadd.f32 v7, v4  }
0x258: {  	v6 =	vld [tilespmem:s23+$0xFFFFFF00];
	v3 =	vadd.f32 v9, v3;
	v2 =	vadd.f32 v24, v2  }
0x259: {  	v10 =	vld [tilespmem:s23+$0xFFFFFF10];
	v4 =	vadd.f32 v28, v4;
	v5 =	vadd.f32 v11, v5  }
0x25a: {  	v62 =	vld [tilespmem:s23+$0x400];
	v3 =	vadd.f32 v52, v3;
	v2 =	vadd.f32 v25, v2  }
0x25b: {  	v8 =	vld [tilespmem:s23+$0x20];
	v4 =	vadd.f32 v53, v4;
	v5 =	vadd.f32 v29, v5  }
0x25c: {  	v7 =	vld [tilespmem:s23+$0x100];
	v3 =	vadd.f32 v30, v3;
	v2 =	vadd.f32 v26, v2  }
0x25d: {  	v9 =	vld [tilespmem:s23+$0x110];
	v4 =	vadd.f32 v6, v4;
	v5 =	vadd.f32 v54, v5  }
0x25e: {  	v11 =	vld [tilespmem:s23+$0x120];
	v3 =	vadd.f32 v10, v3;
	v2 =	vadd.f32 v27, v2  }
0x25f: {  	v6 =	vld [tilespmem:s23+$0x300];
	v4 =	vadd.f32 v56, v4;
	v5 =	vadd.f32 v55, v5  }
0x260: {  	v10 =	vld [tilespmem:s23+$0x310];
	v3 =	vadd.f32 v57, v3;
	v2 =	vmax.f32 v2, $1.000000000e+00  }
0x261: {  	v4 =	vadd.f32 v7, v4;
	v7 =	vld [tilespmem:s23+$0x420];
	(erf) = vrcp.f32 v2;
	v2 =	vadd.f32 v8, v5  }
0x262: {  	v3 =	vadd.f32 v9, v3;
	v9 =	vld [tilespmem:s23+$0x510]  }
0x263: {  	v4 =	vadd.f32 v58, v4;
	v5 =	vld [tilespmem:s23+$0x410];
	v2 =	vadd.f32 v11, v2  }
0x264: {  	v3 =	vadd.f32 v59, v3;
	v8 =	vld [tilespmem:s23+$0x500]  }
0x265: {  	v4 =	vadd.f32 v6, v4;
	v6 =	vld [tilespmem:s23+$0x520];
	v2 =	vadd.f32 v60, v2  }
0x266: {  	v3 =	vadd.f32 v10, v3;
	v10 =	vld [tilespmem:s23+$0x600]  }
0x267: {  	v4 =	vadd.f32 v62, v4;
	v11 =	vadd.f32 v61, v2;
	v2 =	vld [tilespmem:s23+$0x610]  }
0x268: {  	v5 =	vadd.f32 v5, v3;
	v3 =	vld [tilespmem:s23+$0x620]  }
0x269: {  	v8 =	vadd.f32 v8, v4;
	v4 =	vld [tilespmem:s23+$0x700];
	v11 =	vadd.f32 v7, v11  }
0x26a: {  	v7 =	vadd.f32 v9, v5;
	v5 =	vld [tilespmem:s23+$0x710];
	v63 =	vpop (erf)  }
0x26b: {  	s24 =	simm.s32 $0x0;
	s25 =	simm.s32 $0x40;
	s26 =	simm.s32 $0x1B850;
	v8 =	vadd.f32 v10, v8;
	[tilespmem:s23+$0xFFFFF7F0] =	vst v63;
	v9 =	vadd.f32 v6, v11;
	v6 =	vld [tilespmem:s23+$0x720]  }
.LBB2_16:
0x26c: {  	v10 =	vld [tilespmem:s26+$0xFFFFF7F0];
	s28 =	sand.u32 $0xC0, s25;
	s24 =	sadd.s32 $0x4, s24;
	v2 =	vadd.f32 v2, v7  }
0x26d: {  	v7 =	vld [tilespmem:s28+$0x1B100];
	p0 =	slt.u32 s24, $0xC;
	v3 =	vadd.f32 v3, v9  }
0x26e: {  	v9 =	vld [tilespmem:s26+$0xFFFFF800];
	v4 =	vadd.f32 v4, v8  }
0x26f: {  	v8 =	vld [tilespmem:s28+$0x1B200];
	v2 =	vadd.f32 v5, v2  }
0x270: {  	v5 =	vld [tilespmem:s26+$0xFFFFF900];
	v4 =	vmax.f32 v4, $1.000000000e+00;
	v3 =	vadd.f32 v6, v3  }
0x271: {  	v6 =	vld [tilespmem:s28+$0x1B300];
	v2 =	vmax.f32 v2, $1.000000000e+00;
	(erf) = vrcp.f32 v4  }
0x272: {  	v4 =	vadd.f32 v7, v10;
	v7 =	vld [tilespmem:s26+$0xFFFFF810];
	v3 =	vmax.f32 v3, $1.000000000e+00;
	(erf) = vrcp.f32 v2  }
0x273: {  	v2 =	vld [tilespmem:s28+$0x1B400];
	(erf) = vrcp.f32 v3  }
0x274: {  	v3 =	vadd.f32 v8, v4;
	v4 =	vld [tilespmem:s26+$0xFFFFF910]  }
0x275: {  	v8 =	vld [tilespmem:s28+$0x1B500];
	v5 =	vadd.f32 v5, v9  }
0x276: {  	v3 =	vadd.f32 v6, v3;
	v6 =	vld [tilespmem:s26+$0xFFFFF820]  }
0x277: {  	v9 =	vld [tilespmem:s28+$0x1B600]  }
0x278: {  	v2 =	vadd.f32 v2, v3;
	v3 =	vld [tilespmem:s26+$0xFFFFF920]  }
0x279: {  	v10 =	vld [tilespmem:s28+$0x1B700];
	v4 =	vadd.f32 v4, v7  }
0x27a: {  	v2 =	vadd.f32 v8, v2;
	v7 =	vld [tilespmem:s26+$0xFFFFFA00];
	v8 =	vpop (erf)  }
0x27b: {  	v11 =	vld [tilespmem:s28+$0x1B800];
	[tilespmem:s23+$0xFFFFF800] =	vst v8;
	v8 =	vpop (erf)  }
0x27c: {  	v2 =	vadd.f32 v9, v2;
	v9 =	vld [tilespmem:s26+$0xFFFFFA10];
	[tilespmem:s23+$0xFFFFF810] =	vst v8;
	v8 =	vpop (erf)  }
0x27d: {  	v12 =	vld [tilespmem:s28+$0x1B900];
	v3 =	vadd.f32 v3, v6;
	[tilespmem:s23+$0xFFFFF820] =	vst v8;
	s23 =	smov.u32 s26  }
0x27e: {  	v2 =	vadd.f32 v10, v2;
	v6 =	vld [tilespmem:s26+$0xFFFFFA20]  }
0x27f: {  	v8 =	vld [tilespmem:s28+$0x1BA00];
	v5 =	vadd.f32 v7, v5  }
0x280: {  	v2 =	vadd.f32 v11, v2;
	v7 =	vld [tilespmem:s26+$0xFFFFFB00]  }
0x281: {  	v10 =	vld [tilespmem:s28+$0x1BB00];
	v4 =	vadd.f32 v9, v4  }
0x282: {  	v2 =	vadd.f32 v12, v2;
	v9 =	vld [tilespmem:s26+$0xFFFFFB10]  }
0x283: {  	v11 =	vld [tilespmem:s28+$0x1BC00];
	v3 =	vadd.f32 v6, v3  }
0x284: {  	v2 =	vadd.f32 v8, v2;
	v6 =	vld [tilespmem:s26+$0xFFFFFB20]  }
0x285: {  	v8 =	vld [tilespmem:s28+$0x1BD00];
	v5 =	vadd.f32 v7, v5  }
0x286: {  	v2 =	vadd.f32 v10, v2;
	v7 =	vld [tilespmem:s26+$0xFFFFFC00]  }
0x287: {  	v10 =	vld [tilespmem:s28+$0x1BE00];
	v4 =	vadd.f32 v9, v4  }
0x288: {  	v2 =	vadd.f32 v11, v2;
	v9 =	vld [tilespmem:s26+$0xFFFFFC10]  }
0x289: {  	v11 =	vld [tilespmem:s28+$0x1BF00];
	v3 =	vadd.f32 v6, v3  }
0x28a: {  	v2 =	vadd.f32 v8, v2;
	v6 =	vld [tilespmem:s26+$0xFFFFFC20]  }
0x28b: {  	v5 =	vadd.f32 v7, v5;
	v7 =	vld [tilespmem:s26+$0xFFFFFD00]  }
0x28c: {  	v2 =	vadd.f32 v10, v2;
	v8 =	vld [tilespmem:s26+$0xFFFFFD10]  }
0x28d: {  	v4 =	vadd.f32 v9, v4;
	v9 =	vld [tilespmem:s26+$0xFFFFFD20]  }
0x28e: {  	v2 =	vadd.f32 v11, v2;
	v10 =	vld [tilespmem:s26+$0xFFFFFE00]  }
0x28f: {  	v11 =	vld [tilespmem:s26+$0xFFFFFE10];
	v3 =	vadd.f32 v6, v3  }
0x290: {  	v2 =	vmax.f32 v2, $1.000000000e+00;
	v5 =	vadd.f32 v7, v5;
	v6 =	vld [tilespmem:s26+$0xFFFFFE20]  }
0x291: {  	v7 =	vld [tilespmem:s26+$0xFFFFFF00];
	v4 =	vadd.f32 v8, v4;
	(erf) = vrcp.f32 v2  }
0x292: {  	v2 =	vld [tilespmem:s26+$0xFFFFFF10];
	v3 =	vadd.f32 v9, v3  }
0x293: {  	v5 =	vadd.f32 v10, v5;
	v8 =	vld [tilespmem:s26+$0xFFFFFF20]  }
0x294: {  	v9 =	vld [tilespmem:s26+$0x0];
	v4 =	vadd.f32 v11, v4  }
0x295: {  	v10 =	vld [tilespmem:s26+$0x10];
	v3 =	vadd.f32 v6, v3  }
0x296: {  	v5 =	vadd.f32 v7, v5;
	v6 =	vld [tilespmem:s26+$0x20]  }
0x297: {  	v7 =	vld [tilespmem:s26+$0x100];
	v2 =	vadd.f32 v2, v4  }
0x298: {  	v4 =	vld [tilespmem:s26+$0x110];
	v3 =	vadd.f32 v8, v3  }
0x299: {  	v5 =	vadd.f32 v9, v5;
	v8 =	vld [tilespmem:s26+$0x120]  }
0x29a: {  	v9 =	vld [tilespmem:s26+$0x200];
	v2 =	vadd.f32 v10, v2;
	v10 =	vpop (erf)  }
0x29b: {  	[tilespmem:s26+$0xFFFFF7F0] =	vst v10;
	v10 =	vld [tilespmem:s26+$0x210];
	v3 =	vadd.f32 v6, v3  }
0x29c: {  	v5 =	vadd.f32 v7, v5;
	v6 =	vld [tilespmem:s26+$0x220]  }
0x29d: {  	v7 =	vld [tilespmem:s26+$0x300];
	v2 =	vadd.f32 v4, v2  }
0x29e: {  	v4 =	vld [tilespmem:s26+$0x310];
	v3 =	vadd.f32 v8, v3  }
0x29f: {  	v5 =	vadd.f32 v9, v5;
	v8 =	vld [tilespmem:s26+$0x320]  }
0x2a0: {  	v9 =	vld [tilespmem:s26+$0x400];
	v2 =	vadd.f32 v10, v2  }
0x2a1: {  	v10 =	vld [tilespmem:s26+$0x410];
	v3 =	vadd.f32 v6, v3  }
0x2a2: {  	v5 =	vadd.f32 v7, v5;
	v6 =	vld [tilespmem:s26+$0x420]  }
0x2a3: {  	v7 =	vld [tilespmem:s26+$0x500];
	v2 =	vadd.f32 v4, v2  }
0x2a4: {  	v11 =	vld [tilespmem:s26+$0x510];
	v3 =	vadd.f32 v8, v3  }
0x2a5: {  	v4 =	vadd.f32 v9, v5;
	v8 =	vld [tilespmem:s26+$0x520]  }
0x2a6: {  	v12 =	vld [tilespmem:s26+$0x600];
	v5 =	vadd.f32 v10, v2  }
.Ltmp7:
0x2a7: {  	v2 =	vld [tilespmem:s26+$0x610];
	v6 =	vadd.f32 v6, v3;
	(pc) =	sbr.rel @p0 .LBB2_16-.Ltmp7, $4  }
0x2a8: {  	v10 =	vadd.f32 v7, v4;
	v3 =	vld [tilespmem:s26+$0x620]  }
0x2a9: {  	v4 =	vld [tilespmem:s26+$0x700];
	v7 =	vadd.f32 v11, v5  }
0x2aa: {  	v5 =	vld [tilespmem:s26+$0x710];
	v9 =	vadd.f32 v8, v6  }
0x2ab: {  	s25 =	sadd.s32 $0x40, s25;
	s26 =	sadd.s32 $0x40, s26;
	v8 =	vadd.f32 v12, v10;
	v6 =	vld [tilespmem:s23+$0x720]  }
0x2ac: {  	_ = 	snop  }
0x2ad: {  	v2 =	vadd.f32 v2, v7  }
0x2ae: {  	v3 =	vadd.f32 v3, v9;
	v4 =	vadd.f32 v4, v8  }
0x2af: {  	v2 =	vadd.f32 v5, v2  }
0x2b0: {  	v4 =	vmax.f32 v4, $1.000000000e+00;
	v3 =	vadd.f32 v6, v3  }
0x2b1: {  	v2 =	vmax.f32 v2, $1.000000000e+00;
	(erf) = vrcp.f32 v4  }
0x2b2: {  	v3 =	vmax.f32 v3, $1.000000000e+00;
	(erf) = vrcp.f32 v2  }
0x2b3: {  	(erf) = vrcp.f32 v3;
	_ =	sdelay $0x6  }
0x2b4: {  	v2 =	vpop (erf)  }
0x2b5: {  	[tilespmem:s23+$0xFFFFF800] =	vst v2;
	v2 =	vpop (erf)  }
0x2b6: {  	[tilespmem:s23+$0xFFFFF810] =	vst v2;
	v2 =	vpop (erf)  }
0x2b7: {  	[tilespmem:s23+$0xFFFFF820] =	vst v2  }
0x2b8: {  	s0 =	rddreg [dreg:$0x15]  }
0x2b9: {  	[spmem:s0] =	stream.linear.scatter [tilespmem:s21], [sflag:$0x3], $0x100, $0x38;
	[tilespmem:$0x1D100] =	vst v63  }
0x2ba: {  	_ =	swait.ge [sflag:s9], $0x100  }
0x2bb: {  	[sflag:s9] =	ssyncset.done $0x0  }
0x2bc: {  	[sflag:s9] =	ssyncadd.s32 $0xFFFFFF00  }
0x2bd: {  	[bflag:$0x0] =	sbarrier.arrive $0xFFFF  }
0x2be: {  	s26 =	rddreg [dreg:$0x4]  }
0x2bf: {  	[tilespmem:s21], [sflag:$0x3] =	stream.linear.gather [spmem:s26], $0x1000, $0x38;
	[tilespmem:$0x1D100] =	vst v63  }
0x2c0: {  	_ =	swait.ge [sflag:s9], $0x1000  }
0x2c1: {  	[sflag:s9] =	ssyncset.done $0x0  }
0x2c2: {  	s30 =	simm.s32 $0x1B020;
	[sflag:s9] =	ssyncadd.s32 $0xFFFFF000  }
0x2c3: {  	s26 =	simm.s32 $0x18020;
	v10 =	vld [tilespmem:s30+$0x10]  }
0x2c4: {  	v4 =	vld [tilespmem:s26+$0x10]  }
0x2c5: {  	v6 =	vld [tilespmem:s26+$0xFFFFFFE0]  }
0x2c6: {  	v2 =	vld [tilespmem:s30+$0xFFFFFFF0]  }
0x2c7: {  	v9 =	vld [tilespmem:s26+$0xFFFFFFF0]  }
0x2c8: {  	v3 =	vld [tilespmem:s30+$0x0]  }
0x2c9: {  	v11 =	vld [tilespmem:s26+$0x0]  }
0x2ca: {  	s31 =	simm.s32 $0x1B060;
	v5 =	vld [tilespmem:s30+$0xFFFFFFE0]  }
0x2cb: {  	s25 =	simm.s32 $0x18060;
	v7 =	vld [tilespmem:s31+$0x10]  }
0x2cc: {  	v13 =	vld [tilespmem:s25+$0x10];
	v4 =	vmul.f32 v4, v10  }
0x2cd: {  	v8 =	vld [tilespmem:s25+$0xFFFFFFE0]  }
0x2ce: {  	s23 =	simm.s32 $0x19020;
	v14 =	vld [tilespmem:s25+$0xFFFFFFF0];
	[tilespmem:s26+$0x10] =	vst v4  }
0x2cf: {  	v12 =	vld [tilespmem:s23+$0x10]  }
0x2d0: {  	v9 =	vmul.f32 v9, v2;
	v4 =	vld [tilespmem:s31+$0xFFFFFFF0]  }
0x2d1: {  	v16 =	vld [tilespmem:s25+$0x0];
	v15 =	vmul.f32 v6, v5  }
0x2d2: {  	v6 =	vld [tilespmem:s31+$0x0];
	v13 =	vmul.f32 v13, v7;
	[tilespmem:s26+$0xFFFFFFF0] =	vst v9  }
0x2d3: {  	v11 =	vmul.f32 v11, v3;
	[tilespmem:s26+$0xFFFFFFE0] =	vst v15;
	v9 =	vld [tilespmem:s31+$0xFFFFFFE0]  }
0x2d4: {  	s24 =	simm.s32 $0x19060;
	[tilespmem:s25+$0x10] =	vst v13;
	v10 =	vmul.f32 v12, v10;
	v12 =	vld [tilespmem:s23+$0xFFFFFFE0]  }
0x2d5: {  	[tilespmem:s26+$0x0] =	vst v11;
	v13 =	vld [tilespmem:s24+$0x10];
	v11 =	vmul.f32 v14, v4  }
0x2d6: {  	[tilespmem:s23+$0x10] =	vst v10;
	v10 =	vld [tilespmem:s23+$0xFFFFFFF0]  }
0x2d7: {  	s29 =	simm.s32 $0x1B0A0;
	s28 =	simm.s32 $0x18060;
	s26 =	simm.s32 $0x4;
	v14 =	vmul.f32 v16, v6;
	[tilespmem:s25+$0xFFFFFFF0] =	vst v11;
	v11 =	vld [tilespmem:s23+$0x0]  }
.LBB2_18:
0x2d8: {  	v15 =	vld [tilespmem:s29+$0x10];
	v16 =	vmul.f32 v8, v9;
	s25 =	sadd.s32 $0x40, s25  }
0x2d9: {  	s26 =	sadd.s32 $0x4, s26;
	v17 =	vld [tilespmem:s25+$0x10];
	[tilespmem:s28+$0x0] =	vst v14;
	v12 =	vmul.f32 v12, v5;
	v5 =	vmov v9  }
0x2da: {  	p0 =	slt.u32 s26, $0xFC;
	v8 =	vld [tilespmem:s25+$0xFFFFFFE0];
	[tilespmem:s28+$0xFFFFFFE0] =	vst v16;
	v13 =	vmul.f32 v13, v7;
	s28 =	smov.u32 s25  }
0x2db: {  	[tilespmem:s23+$0xFFFFFFE0] =	vst v12;
	v9 =	vmul.f32 v10, v2;
	v2 =	vmov v4;
	v4 =	vld [tilespmem:s29+$0xFFFFFFF0]  }
0x2dc: {  	v10 =	vld [tilespmem:s25+$0xFFFFFFF0];
	[tilespmem:s24+$0x10] =	vst v13;
	v11 =	vmul.f32 v11, v3;
	v3 =	vmov v6  }
0x2dd: {  	v6 =	vld [tilespmem:s29+$0x0];
	[tilespmem:s23+$0xFFFFFFF0] =	vst v9;
	v7 =	vmov v15  }
0x2de: {  	v14 =	vld [tilespmem:s25+$0x0];
	v12 =	vmul.f32 v17, v7;
	[tilespmem:s23+$0x0] =	vst v11;
	s23 =	smov.u32 s24  }
.Ltmp8:
0x2df: {  	v9 =	vld [tilespmem:s29+$0xFFFFFFE0];
	(pc) =	sbr.rel @p0 .LBB2_18-.Ltmp8, $4  }
0x2e0: {  	s24 =	sadd.s32 $0x40, s24;
	[tilespmem:s25+$0x10] =	vst v12;
	v12 =	vld [tilespmem:s23+$0xFFFFFFE0]  }
0x2e1: {  	v11 =	vmul.f32 v10, v4;
	v13 =	vld [tilespmem:s24+$0x10]  }
0x2e2: {  	v10 =	vld [tilespmem:s23+$0xFFFFFFF0]  }
0x2e3: {  	s29 =	sadd.s32 $0x40, s29;
	[tilespmem:s25+$0xFFFFFFF0] =	vst v11;
	v14 =	vmul.f32 v14, v6;
	v11 =	vld [tilespmem:s23+$0x0]  }
0x2e4: {  	v8 =	vmul.f32 v8, v9;
	_ =	sdelay $0x1  }
0x2e5: {  	[tilespmem:s28+$0xFFFFFFE0] =	vst v8  }
0x2e6: {  	v8 =	vld [tilespmem:s24+$0xFFFFFFE0]  }
0x2e7: {  	v62 =	vld [tilespmem:s24+$0xFFFFFFF0];
	[tilespmem:s28+$0x0] =	vst v14;
	v5 =	vmul.f32 v12, v5  }
0x2e8: {  	v7 =	vmul.f32 v13, v7;
	v63 =	vld [tilespmem:s24+$0x0]  }
0x2e9: {  	[tilespmem:s23+$0xFFFFFFE0] =	vst v5;
	v2 =	vmul.f32 v10, v2  }
0x2ea: {  	[tilespmem:s24+$0x10] =	vst v7;
	v3 =	vmul.f32 v11, v3  }
0x2eb: {  	[tilespmem:s23+$0xFFFFFFF0] =	vst v2;
	v2 =	vmul.f32 v8, v9  }
0x2ec: {  	[tilespmem:s23+$0x0] =	vst v3;
	v3 =	vmul.f32 v62, v4  }
0x2ed: {  	[tilespmem:s24+$0xFFFFFFE0] =	vst v2;
	v2 =	vmul.f32 v63, v6  }
0x2ee: {  	[tilespmem:s24+$0xFFFFFFF0] =	vst v3  }
0x2ef: {  	[tilespmem:s24+$0x0] =	vst v2  }
0x2f0: {  	s0 =	rddreg [dreg:$0x12]  }
0x2f1: {  	[hbm4b:s0+s5] =	stream.linear.scatter [tilespmem:s18], [sflag:$0x3], $0x1000, $0x38;
	[tilespmem:$0x1D100] =	vst v63  }
0x2f2: {  	_ =	swait.ge [sflag:s9], $0x1000  }
0x2f3: {  	[sflag:s9] =	ssyncset.done $0x0  }
0x2f4: {  	s30 =	rddreg [dreg:$0x13];
	[sflag:s9] =	ssyncadd.s32 $0xFFFFF000  }
0x2f5: {  	[hbm4b:s30+s5] =	stream.linear.scatter [tilespmem:s19], [sflag:$0x3], $0x1000, $0x38;
	[tilespmem:$0x1D100] =	vst v63  }
0x2f6: {  	_ =	swait.ge [sflag:s9], $0x1000  }
0x2f7: {  	s22 =	sadd.s32 $0x1, s22;
	s31 =	rddreg [dreg:$0x16]  }
0x2f8: {  	p0 =	sne.s32 s22, s31  }
.Ltmp9:
0x2f9: {  	_ = 	snop;
	(pc) =	sbr.rel @p0 .LBB2_1-.Ltmp9, $3  }
0x2fa: {  	_ =	sdelay $0x1  }
0x2fb: {  	[sflag:s9] =	ssyncset.done $0x0  }
0x2fc: {  	[sflag:s9] =	ssyncadd.s32 $0xFFFFF000  }
0x2fd: {  	_ =	sfence.sel $0x180000  }
0x2fe: {  	[bflag:$0x0] =	sbarrier.arrive $0xFFFF  }
0x2ff: {  	_ =	strace $0x90000047  }
0x300: {  	s0 =	stileid.u32;
	[bflag:$0x2] =	sbarrier.arrive $0xFFFF  }
0x301: {  	p0 =	sne.s32 s0, $0x0;
	s0 =	rddreg [dreg:$0x5]  }
0x302: {  	s0 =	sadd.s32 @!p0 $0x100000, s0  }
0x303: {  	[sflag:s0] =	ssyncadd.tile.s32 @!p0 $0x1;
	_ =	shalt  }
.Lfunc_end2:
_tile_overlayer_lowered:
.L_overlay_start_2:
0x304: {  	(tag) =	ssettag $0x2  }
0x305: {  	s0 =	rddreg [dreg:$0x0];
	s2 =	stileid.u32  }
0x306: {  	s1 =	rddreg [dreg:$0x1];
	p0 =	sne.s32 s2, $0x0  }
0x307: {  	s3 =	rddreg [dreg:$0x2];
	[bflag:$0x3] =	sbarrier.arrive $0xFFFF;
	s2 =	simm.s32 @!p0 $0x1C03  }
0x308: {  	[timem:s3], [sflag:s2] =	dma.local @!p0 [hbm:s0], s1  }
0x309: {  	s0 =	simm.s32 @!p0 $0x3  }
0x30a: {  	_ =	swait.ge @!p0 [sflag:s0], s1  }
0x30b: {  	s1 =	ssub.s32 @!p0 $0x0, s1;
	[sflag:s0] =	ssyncset.done @!p0 $0x0  }
0x30c: {  	[sflag:s0] =	ssyncadd.s32 @!p0 s1  }
0x30d: {  	[bflag:$0x3] =	sbarrier.arrive $0xFFFF  }
0x30e: {  	_ =	shalt  }

</sc_bundles>
